<compile_context>
chip_gen: v7x
topology: tpu7x:2x2x1
jax: 0.10.2.dev20260603
libtpu: 0.0.44.dev20260713+nightly
codegen_flags: <defaults>
</compile_context>

<pallas_src>
import functools

import jax
import numpy as np
from jax import lax
from jax.experimental import pallas as pl
from jax.experimental.pallas import tpu as pltpu
from jax.experimental.pallas import tpu_sc as plsc

_ALPHA = 4
_NC, _NS = 2, 16
_NW = _NC * _NS


def _tc_fast_copy(frames):
    C, T, H, W = frames.shape
    n = T // _ALPHA

    def _body(in_hbm, fast_hbm, bufs, sem_in, sem_fast):
        def in_dma(j):
            return pltpu.make_async_copy(
                in_hbm.at[:, pl.ds(j * _ALPHA, _ALPHA)],
                bufs.at[j],
                sem_in.at[j],
            )

        def fast_dma(j):
            return pltpu.make_async_copy(
                bufs.at[j],
                fast_hbm.at[:, pl.ds(j * _ALPHA, _ALPHA)],
                sem_fast.at[j],
            )

        for j in range(n):
            in_dma(j).start()
        for j in range(n):
            in_dma(j).wait()
            fast_dma(j).start()
        for j in range(n):
            fast_dma(j).wait()

    return pl.pallas_call(
        _body,
        in_specs=[pl.BlockSpec(memory_space=pltpu.MemorySpace.HBM)],
        out_specs=pl.BlockSpec(memory_space=pltpu.MemorySpace.HBM),
        out_shape=jax.ShapeDtypeStruct((C, T, H, W), frames.dtype),
        scratch_shapes=[
            pltpu.VMEM((n, C, _ALPHA, H, W), frames.dtype),
            pltpu.SemaphoreType.DMA((n,)),
            pltpu.SemaphoreType.DMA((n,)),
        ],
    )(frames)


def _sc_gather(frames, C, T, n):
    _, _, H, W = frames.shape
    planes = C * n
    nchunk = 1
    while (planes * nchunk) % _NW or H % nchunk or (H // nchunk) % 8:
        nchunk += 1
    hh = H // nchunk
    tpw = planes * nchunk // _NW

    mesh = plsc.VectorSubcoreMesh(core_axis_name="c", subcore_axis_name="s")

    @functools.partial(
        pl.kernel,
        mesh=mesh,
        out_type=jax.ShapeDtypeStruct((C, n, H, W), frames.dtype),
        scratch_types=[
            pltpu.VMEM_SHARED((_NS, tpw, hh, W), frames.dtype),
            pltpu.SemaphoreType.DMA((tpw,)),
            pltpu.SemaphoreType.DMA((tpw,)),
        ],
        compiler_params=pltpu.CompilerParams(use_tc_tiling_on_sc=True),
    )
    def k(in_hbm, out_hbm, bufs, sem_in, sem_out):
        sid = lax.axis_index("s")
        wid = sid * _NC + lax.axis_index("c")

        def task(i):
            t = wid * tpw + i
            plane = t // nchunk
            chunk = t % nchunk
            j = plane % n
            c = plane // n
            src = (j * (T - 1)) // (n - 1)
            return c, src, j, chunk * hh

        def in_dma(i):
            c, src, _, h0 = task(i)
            return pltpu.make_async_copy(
                in_hbm.at[c, src, pl.ds(h0, hh)], bufs.at[sid, i], sem_in.at[i]
            )

        def out_dma(i):
            c, _, j, h0 = task(i)
            return pltpu.make_async_copy(
                bufs.at[sid, i], out_hbm.at[c, j, pl.ds(h0, hh)], sem_out.at[i]
            )

        for i in range(tpw):
            in_dma(i).start()
        for i in range(tpw):
            in_dma(i).wait()
            out_dma(i).start()
        for i in range(tpw):
            out_dma(i).wait()

    return k(frames)


def kernel(frames):
    C, T, H, W = frames.shape
    n = T // _ALPHA
    idx = np.linspace(0.0, T - 1, n).astype(np.int32)
    assert all(int(t) == (j * (T - 1)) // (n - 1) for j, t in enumerate(idx))

    slow = _sc_gather(frames, C, T, n)
    fast = _tc_fast_copy(frames)
    return (slow, fast)

# --- scband reference (transcript-rebuilt; emitter-appended) ---
"""Pipeline reference for scband-pack-pathway-11871289606726 (READ-ONLY COPY).

The authoritative reference and input builder live on the scoring server;
editing this copy changes nothing except your own understanding.
"""

import jax, jax.numpy as jnp
import numpy as np

ALPHA = 4

def setup_inputs(seed: int = 0) -> dict:
    key = jax.random.key(seed)
    frames = jax.random.normal(key, (3, 32, 256, 256), dtype=jnp.float32)
    return {"frames": frames}

def reference(frames):
    T = frames.shape[1]
    # torch.linspace(0, T-1, T//alpha).long() -> truncation toward zero (floor for nonneg)
    idx = jnp.linspace(0.0, T - 1, T // ALPHA).astype(jnp.int32)
    fast_pathway = frames
    slow_pathway = jnp.take(frames, idx, axis=1)
    return (slow_pathway, fast_pathway)

if __name__ == "__main__":
    import jax
    _d = setup_inputs()
    print(jax.jit(kernel)(*tuple(_d.values())))

</pallas_src>

<mosaic_0001>
#map = affine_map<(d0, d1) -> (0, 0, 0, 0)>
module attributes {stable_mosaic.version = 14 : i64} {
  func.func @k(%arg0: i32, %arg1: i32, %arg2: memref<3x32x256x256xf32, #tpu.memory_space<hbm>>, %arg3: memref<3x8x256x256xf32, #tpu.memory_space<hbm>>, %arg4: memref<16x3x64x256xf32, #tpu.memory_space<vmem_shared>>, %arg5: memref<3x!tpu.dma_semaphore, #tpu.memory_space<semaphore_mem>>, %arg6: memref<3x!tpu.dma_semaphore, #tpu.memory_space<semaphore_mem>>) attributes {dimension_semantics = [#tpu.dimension_semantics<core_parallel>, #tpu.dimension_semantics<subcore_parallel>], iteration_bounds = array<i64: 2, 16>, scalar_prefetch = 0 : i64, scratch_operands = 3 : i64, tpu.core_type = #tpu.core_type<sc_vector_subcore>, window_params = [{transform_indices = #map}, {transform_indices = #map}]} {
    %mul3A = arith.constant 2 : i32
    %mul3A_0 = arith.muli %arg1, %mul3A : i32
    %add3A = arith.addi %mul3A_0, %arg0 : i32
    %mul3A_1 = arith.constant 3 : i32
    %mul3A_2 = arith.muli %add3A, %mul3A_1 : i32
    %add3A_3 = arith.constant 0 : i32
    %add3A_4 = arith.addi %mul3A_2, %add3A_3 : i32
    %jit3A = arith.constant 4 : i32
    %div3A = arith.divsi %add3A_4, %jit3A : i32
    %sign3A = arith.constant 0 : i32
    %sign3A_5 = arith.cmpi sgt, %add3A_4, %sign3A : i32
    %sign3A_6 = arith.extui %sign3A_5 : i1 to i32
    %sign3A_7 = arith.constant 0 : i32
    %sign3A_8 = arith.cmpi slt, %add3A_4, %sign3A_7 : i32
    %sign3A_9 = arith.extui %sign3A_8 : i1 to i32
    %sign3A_10 = arith.subi %sign3A_6, %sign3A_9 : i32
    %sign3A_11 = arith.constant 0 : i32
    %sign3A_12 = arith.cmpi sgt, %jit3A, %sign3A_11 : i32
    %sign3A_13 = arith.extui %sign3A_12 : i1 to i32
    %sign3A_14 = arith.constant 0 : i32
    %sign3A_15 = arith.cmpi slt, %jit3A, %sign3A_14 : i32
    %sign3A_16 = arith.extui %sign3A_15 : i1 to i32
    %sign3A_17 = arith.subi %sign3A_13, %sign3A_16 : i32
    %ne3A = arith.cmpi ne, %sign3A_10, %sign3A_17 : i32
    %rem3A = arith.remsi %add3A_4, %jit3A : i32
    %ne3A_18 = arith.constant 0 : i32
    %ne3A_19 = arith.cmpi ne, %rem3A, %ne3A_18 : i32
    %and3A = arith.andi %ne3A, %ne3A_19 : i1
    %sub3A = arith.constant 1 : i32
    %sub3A_20 = arith.subi %div3A, %sub3A : i32
    %select_n3A = arith.select %and3A, %sub3A_20, %div3A : i32
    %jit3A_21 = arith.constant 4 : i32
    %eq3A = arith.constant 0 : i32
    %eq3A_22 = arith.cmpi eq, %jit3A_21, %eq3A : i32
    %jit3A_23 = arith.constant 1 : i32
    %select_n3A_24 = arith.select %eq3A_22, %jit3A_23, %jit3A_21 : i32
    %rem3A_25 = arith.remsi %add3A_4, %select_n3A_24 : i32
    %ne3A_26 = arith.constant 0 : i32
    %ne3A_27 = arith.cmpi ne, %rem3A_25, %ne3A_26 : i32
    %lt3A = arith.constant 0 : i32
    %lt3A_28 = arith.cmpi slt, %rem3A_25, %lt3A : i32
    %lt3A_29 = arith.constant 0 : i32
    %lt3A_30 = arith.cmpi slt, %select_n3A_24, %lt3A_29 : i32
    %ne3A_31 = arith.xori %lt3A_28, %lt3A_30 : i1
    %and3A_32 = arith.andi %ne3A_31, %ne3A_27 : i1
    %add3A_33 = arith.addi %rem3A_25, %select_n3A_24 : i32
    %select_n3A_34 = arith.select %and3A_32, %add3A_33, %rem3A_25 : i32
    %jit3A_35 = arith.constant 8 : i32
    %eq3A_36 = arith.constant 0 : i32
    %eq3A_37 = arith.cmpi eq, %jit3A_35, %eq3A_36 : i32
    %jit3A_38 = arith.constant 1 : i32
    %select_n3A_39 = arith.select %eq3A_37, %jit3A_38, %jit3A_35 : i32
    %rem3A_40 = arith.remsi %select_n3A, %select_n3A_39 : i32
    %ne3A_41 = arith.constant 0 : i32
    %ne3A_42 = arith.cmpi ne, %rem3A_40, %ne3A_41 : i32
    %lt3A_43 = arith.constant 0 : i32
    %lt3A_44 = arith.cmpi slt, %rem3A_40, %lt3A_43 : i32
    %lt3A_45 = arith.constant 0 : i32
    %lt3A_46 = arith.cmpi slt, %select_n3A_39, %lt3A_45 : i32
    %ne3A_47 = arith.xori %lt3A_44, %lt3A_46 : i1
    %and3A_48 = arith.andi %ne3A_47, %ne3A_42 : i1
    %add3A_49 = arith.addi %rem3A_40, %select_n3A_39 : i32
    %select_n3A_50 = arith.select %and3A_48, %add3A_49, %rem3A_40 : i32
    %jit3A_51 = arith.constant 8 : i32
    %div3A_52 = arith.divsi %select_n3A, %jit3A_51 : i32
    %sign3A_53 = arith.constant 0 : i32
    %sign3A_54 = arith.cmpi sgt, %select_n3A, %sign3A_53 : i32
    %sign3A_55 = arith.extui %sign3A_54 : i1 to i32
    %sign3A_56 = arith.constant 0 : i32
    %sign3A_57 = arith.cmpi slt, %select_n3A, %sign3A_56 : i32
    %sign3A_58 = arith.extui %sign3A_57 : i1 to i32
    %sign3A_59 = arith.subi %sign3A_55, %sign3A_58 : i32
    %sign3A_60 = arith.constant 0 : i32
    %sign3A_61 = arith.cmpi sgt, %jit3A_51, %sign3A_60 : i32
    %sign3A_62 = arith.extui %sign3A_61 : i1 to i32
    %sign3A_63 = arith.constant 0 : i32
    %sign3A_64 = arith.cmpi slt, %jit3A_51, %sign3A_63 : i32
    %sign3A_65 = arith.extui %sign3A_64 : i1 to i32
    %sign3A_66 = arith.subi %sign3A_62, %sign3A_65 : i32
    %ne3A_67 = arith.cmpi ne, %sign3A_59, %sign3A_66 : i32
    %rem3A_68 = arith.remsi %select_n3A, %jit3A_51 : i32
    %ne3A_69 = arith.constant 0 : i32
    %ne3A_70 = arith.cmpi ne, %rem3A_68, %ne3A_69 : i32
    %and3A_71 = arith.andi %ne3A_67, %ne3A_70 : i1
    %sub3A_72 = arith.constant 1 : i32
    %sub3A_73 = arith.subi %div3A_52, %sub3A_72 : i32
    %select_n3A_74 = arith.select %and3A_71, %sub3A_73, %div3A_52 : i32
    %mul3A_75 = arith.constant 31 : i32
    %mul3A_76 = arith.muli %select_n3A_50, %mul3A_75 : i32
    %jit3A_77 = arith.constant 7 : i32
    %div3A_78 = arith.divsi %mul3A_76, %jit3A_77 : i32
    %sign3A_79 = arith.constant 0 : i32
    %sign3A_80 = arith.cmpi sgt, %mul3A_76, %sign3A_79 : i32
    %sign3A_81 = arith.extui %sign3A_80 : i1 to i32
    %sign3A_82 = arith.constant 0 : i32
    %sign3A_83 = arith.cmpi slt, %mul3A_76, %sign3A_82 : i32
    %sign3A_84 = arith.extui %sign3A_83 : i1 to i32
    %sign3A_85 = arith.subi %sign3A_81, %sign3A_84 : i32
    %sign3A_86 = arith.constant 0 : i32
    %sign3A_87 = arith.cmpi sgt, %jit3A_77, %sign3A_86 : i32
    %sign3A_88 = arith.extui %sign3A_87 : i1 to i32
    %sign3A_89 = arith.constant 0 : i32
    %sign3A_90 = arith.cmpi slt, %jit3A_77, %sign3A_89 : i32
    %sign3A_91 = arith.extui %sign3A_90 : i1 to i32
    %sign3A_92 = arith.subi %sign3A_88, %sign3A_91 : i32
    %ne3A_93 = arith.cmpi ne, %sign3A_85, %sign3A_92 : i32
    %rem3A_94 = arith.remsi %mul3A_76, %jit3A_77 : i32
    %ne3A_95 = arith.constant 0 : i32
    %ne3A_96 = arith.cmpi ne, %rem3A_94, %ne3A_95 : i32
    %and3A_97 = arith.andi %ne3A_93, %ne3A_96 : i1
    %sub3A_98 = arith.constant 1 : i32
    %sub3A_99 = arith.subi %div3A_78, %sub3A_98 : i32
    %select_n3A_100 = arith.select %and3A_97, %sub3A_99, %div3A_78 : i32
    %mul3A_101 = arith.constant 64 : i32
    %mul3A_102 = arith.muli %select_n3A_34, %mul3A_101 : i32
    %dma_start3A = arith.constant 0 : i32
    %dma_start3A_103 = arith.constant 0 : i32
    %dma_start3A_104 = tpu.memref_slice %arg5[%dma_start3A_103] : memref<3x!tpu.dma_semaphore, #tpu.memory_space<semaphore_mem>> -> memref<1x!tpu.dma_semaphore, #tpu.memory_space<semaphore_mem>>
    %dma_start3A_105 = tpu.memref_squeeze %dma_start3A_104 : memref<1x!tpu.dma_semaphore, #tpu.memory_space<semaphore_mem>> -> memref<!tpu.dma_semaphore, #tpu.memory_space<semaphore_mem>>
    %dma_start3A_106 = arith.constant 0 : i32
    %dma_start3A_107 = arith.constant 0 : i32
    %dma_start3A_108 = tpu.memref_slice %arg4[%arg1, %dma_start3A, %dma_start3A_106, %dma_start3A_107] : memref<16x3x64x256xf32, #tpu.memory_space<vmem_shared>> -> memref<1x1x64x256xf32, #tpu.memory_space<vmem_shared>>
    %dma_start3A_109 = tpu.memref_squeeze %dma_start3A_108 : memref<1x1x64x256xf32, #tpu.memory_space<vmem_shared>> -> memref<64x256xf32, #tpu.memory_space<vmem_shared>>
    %dma_start3A_110 = arith.constant 0 : i32
    %dma_start3A_111 = tpu.memref_slice %arg2[%select_n3A_74, %select_n3A_100, %mul3A_102, %dma_start3A_110] : memref<3x32x256x256xf32, #tpu.memory_space<hbm>> -> memref<1x1x64x256xf32, #tpu.memory_space<hbm>>
    %dma_start3A_112 = tpu.memref_squeeze %dma_start3A_111 : memref<1x1x64x256xf32, #tpu.memory_space<hbm>> -> memref<64x256xf32, #tpu.memory_space<hbm>>
    tpu.enqueue_dma source(%dma_start3A_112 : memref<64x256xf32, #tpu.memory_space<hbm>>) target(%dma_start3A_109 : memref<64x256xf32, #tpu.memory_space<vmem_shared>>) target_semaphore(%dma_start3A_105 : memref<!tpu.dma_semaphore, #tpu.memory_space<semaphore_mem>>)
    %mul3A_113 = arith.constant 3 : i32
    %mul3A_114 = arith.muli %add3A, %mul3A_113 : i32
    %add3A_115 = arith.constant 1 : i32
    %add3A_116 = arith.addi %mul3A_114, %add3A_115 : i32
    %jit3A_117 = arith.constant 4 : i32
    %div3A_118 = arith.divsi %add3A_116, %jit3A_117 : i32
    %sign3A_119 = arith.constant 0 : i32
    %sign3A_120 = arith.cmpi sgt, %add3A_116, %sign3A_119 : i32
    %sign3A_121 = arith.extui %sign3A_120 : i1 to i32
    %sign3A_122 = arith.constant 0 : i32
    %sign3A_123 = arith.cmpi slt, %add3A_116, %sign3A_122 : i32
    %sign3A_124 = arith.extui %sign3A_123 : i1 to i32
    %sign3A_125 = arith.subi %sign3A_121, %sign3A_124 : i32
    %sign3A_126 = arith.constant 0 : i32
    %sign3A_127 = arith.cmpi sgt, %jit3A_117, %sign3A_126 : i32
    %sign3A_128 = arith.extui %sign3A_127 : i1 to i32
    %sign3A_129 = arith.constant 0 : i32
    %sign3A_130 = arith.cmpi slt, %jit3A_117, %sign3A_129 : i32
    %sign3A_131 = arith.extui %sign3A_130 : i1 to i32
    %sign3A_132 = arith.subi %sign3A_128, %sign3A_131 : i32
    %ne3A_133 = arith.cmpi ne, %sign3A_125, %sign3A_132 : i32
    %rem3A_134 = arith.remsi %add3A_116, %jit3A_117 : i32
    %ne3A_135 = arith.constant 0 : i32
    %ne3A_136 = arith.cmpi ne, %rem3A_134, %ne3A_135 : i32
    %and3A_137 = arith.andi %ne3A_133, %ne3A_136 : i1
    %sub3A_138 = arith.constant 1 : i32
    %sub3A_139 = arith.subi %div3A_118, %sub3A_138 : i32
    %select_n3A_140 = arith.select %and3A_137, %sub3A_139, %div3A_118 : i32
    %jit3A_141 = arith.constant 4 : i32
    %eq3A_142 = arith.constant 0 : i32
    %eq3A_143 = arith.cmpi eq, %jit3A_141, %eq3A_142 : i32
    %jit3A_144 = arith.constant 1 : i32
    %select_n3A_145 = arith.select %eq3A_143, %jit3A_144, %jit3A_141 : i32
    %rem3A_146 = arith.remsi %add3A_116, %select_n3A_145 : i32
    %ne3A_147 = arith.constant 0 : i32
    %ne3A_148 = arith.cmpi ne, %rem3A_146, %ne3A_147 : i32
    %lt3A_149 = arith.constant 0 : i32
    %lt3A_150 = arith.cmpi slt, %rem3A_146, %lt3A_149 : i32
    %lt3A_151 = arith.constant 0 : i32
    %lt3A_152 = arith.cmpi slt, %select_n3A_145, %lt3A_151 : i32
    %ne3A_153 = arith.xori %lt3A_150, %lt3A_152 : i1
    %and3A_154 = arith.andi %ne3A_153, %ne3A_148 : i1
    %add3A_155 = arith.addi %rem3A_146, %select_n3A_145 : i32
    %select_n3A_156 = arith.select %and3A_154, %add3A_155, %rem3A_146 : i32
    %jit3A_157 = arith.constant 8 : i32
    %eq3A_158 = arith.constant 0 : i32
    %eq3A_159 = arith.cmpi eq, %jit3A_157, %eq3A_158 : i32
    %jit3A_160 = arith.constant 1 : i32
    %select_n3A_161 = arith.select %eq3A_159, %jit3A_160, %jit3A_157 : i32
    %rem3A_162 = arith.remsi %select_n3A_140, %select_n3A_161 : i32
    %ne3A_163 = arith.constant 0 : i32
    %ne3A_164 = arith.cmpi ne, %rem3A_162, %ne3A_163 : i32
    %lt3A_165 = arith.constant 0 : i32
    %lt3A_166 = arith.cmpi slt, %rem3A_162, %lt3A_165 : i32
    %lt3A_167 = arith.constant 0 : i32
    %lt3A_168 = arith.cmpi slt, %select_n3A_161, %lt3A_167 : i32
    %ne3A_169 = arith.xori %lt3A_166, %lt3A_168 : i1
    %and3A_170 = arith.andi %ne3A_169, %ne3A_164 : i1
    %add3A_171 = arith.addi %rem3A_162, %select_n3A_161 : i32
    %select_n3A_172 = arith.select %and3A_170, %add3A_171, %rem3A_162 : i32
    %jit3A_173 = arith.constant 8 : i32
    %div3A_174 = arith.divsi %select_n3A_140, %jit3A_173 : i32
    %sign3A_175 = arith.constant 0 : i32
    %sign3A_176 = arith.cmpi sgt, %select_n3A_140, %sign3A_175 : i32
    %sign3A_177 = arith.extui %sign3A_176 : i1 to i32
    %sign3A_178 = arith.constant 0 : i32
    %sign3A_179 = arith.cmpi slt, %select_n3A_140, %sign3A_178 : i32
    %sign3A_180 = arith.extui %sign3A_179 : i1 to i32
    %sign3A_181 = arith.subi %sign3A_177, %sign3A_180 : i32
    %sign3A_182 = arith.constant 0 : i32
    %sign3A_183 = arith.cmpi sgt, %jit3A_173, %sign3A_182 : i32
    %sign3A_184 = arith.extui %sign3A_183 : i1 to i32
    %sign3A_185 = arith.constant 0 : i32
    %sign3A_186 = arith.cmpi slt, %jit3A_173, %sign3A_185 : i32
    %sign3A_187 = arith.extui %sign3A_186 : i1 to i32
    %sign3A_188 = arith.subi %sign3A_184, %sign3A_187 : i32
    %ne3A_189 = arith.cmpi ne, %sign3A_181, %sign3A_188 : i32
    %rem3A_190 = arith.remsi %select_n3A_140, %jit3A_173 : i32
    %ne3A_191 = arith.constant 0 : i32
    %ne3A_192 = arith.cmpi ne, %rem3A_190, %ne3A_191 : i32
    %and3A_193 = arith.andi %ne3A_189, %ne3A_192 : i1
    %sub3A_194 = arith.constant 1 : i32
    %sub3A_195 = arith.subi %div3A_174, %sub3A_194 : i32
    %select_n3A_196 = arith.select %and3A_193, %sub3A_195, %div3A_174 : i32
    %mul3A_197 = arith.constant 31 : i32
    %mul3A_198 = arith.muli %select_n3A_172, %mul3A_197 : i32
    %jit3A_199 = arith.constant 7 : i32
    %div3A_200 = arith.divsi %mul3A_198, %jit3A_199 : i32
    %sign3A_201 = arith.constant 0 : i32
    %sign3A_202 = arith.cmpi sgt, %mul3A_198, %sign3A_201 : i32
    %sign3A_203 = arith.extui %sign3A_202 : i1 to i32
    %sign3A_204 = arith.constant 0 : i32
    %sign3A_205 = arith.cmpi slt, %mul3A_198, %sign3A_204 : i32
    %sign3A_206 = arith.extui %sign3A_205 : i1 to i32
    %sign3A_207 = arith.subi %sign3A_203, %sign3A_206 : i32
    %sign3A_208 = arith.constant 0 : i32
    %sign3A_209 = arith.cmpi sgt, %jit3A_199, %sign3A_208 : i32
    %sign3A_210 = arith.extui %sign3A_209 : i1 to i32
    %sign3A_211 = arith.constant 0 : i32
    %sign3A_212 = arith.cmpi slt, %jit3A_199, %sign3A_211 : i32
    %sign3A_213 = arith.extui %sign3A_212 : i1 to i32
    %sign3A_214 = arith.subi %sign3A_210, %sign3A_213 : i32
    %ne3A_215 = arith.cmpi ne, %sign3A_207, %sign3A_214 : i32
    %rem3A_216 = arith.remsi %mul3A_198, %jit3A_199 : i32
    %ne3A_217 = arith.constant 0 : i32
    %ne3A_218 = arith.cmpi ne, %rem3A_216, %ne3A_217 : i32
    %and3A_219 = arith.andi %ne3A_215, %ne3A_218 : i1
    %sub3A_220 = arith.constant 1 : i32
    %sub3A_221 = arith.subi %div3A_200, %sub3A_220 : i32
    %select_n3A_222 = arith.select %and3A_219, %sub3A_221, %div3A_200 : i32
    %mul3A_223 = arith.constant 64 : i32
    %mul3A_224 = arith.muli %select_n3A_156, %mul3A_223 : i32
    %dma_start3A_225 = arith.constant 1 : i32
    %dma_start3A_226 = arith.constant 1 : i32
    %dma_start3A_227 = tpu.memref_slice %arg5[%dma_start3A_226] : memref<3x!tpu.dma_semaphore, #tpu.memory_space<semaphore_mem>> -> memref<1x!tpu.dma_semaphore, #tpu.memory_space<semaphore_mem>>
    %dma_start3A_228 = tpu.memref_squeeze %dma_start3A_227 : memref<1x!tpu.dma_semaphore, #tpu.memory_space<semaphore_mem>> -> memref<!tpu.dma_semaphore, #tpu.memory_space<semaphore_mem>>
    %dma_start3A_229 = arith.constant 0 : i32
    %dma_start3A_230 = arith.constant 0 : i32
    %dma_start3A_231 = tpu.memref_slice %arg4[%arg1, %dma_start3A_225, %dma_start3A_229, %dma_start3A_230] : memref<16x3x64x256xf32, #tpu.memory_space<vmem_shared>> -> memref<1x1x64x256xf32, #tpu.memory_space<vmem_shared>>
    %dma_start3A_232 = tpu.memref_squeeze %dma_start3A_231 : memref<1x1x64x256xf32, #tpu.memory_space<vmem_shared>> -> memref<64x256xf32, #tpu.memory_space<vmem_shared>>
    %dma_start3A_233 = arith.constant 0 : i32
    %dma_start3A_234 = tpu.memref_slice %arg2[%select_n3A_196, %select_n3A_222, %mul3A_224, %dma_start3A_233] : memref<3x32x256x256xf32, #tpu.memory_space<hbm>> -> memref<1x1x64x256xf32, #tpu.memory_space<hbm>>
    %dma_start3A_235 = tpu.memref_squeeze %dma_start3A_234 : memref<1x1x64x256xf32, #tpu.memory_space<hbm>> -> memref<64x256xf32, #tpu.memory_space<hbm>>
    tpu.enqueue_dma source(%dma_start3A_235 : memref<64x256xf32, #tpu.memory_space<hbm>>) target(%dma_start3A_232 : memref<64x256xf32, #tpu.memory_space<vmem_shared>>) target_semaphore(%dma_start3A_228 : memref<!tpu.dma_semaphore, #tpu.memory_space<semaphore_mem>>)
    %mul3A_236 = arith.constant 3 : i32
    %mul3A_237 = arith.muli %add3A, %mul3A_236 : i32
    %add3A_238 = arith.constant 2 : i32
    %add3A_239 = arith.addi %mul3A_237, %add3A_238 : i32
    %jit3A_240 = arith.constant 4 : i32
    %div3A_241 = arith.divsi %add3A_239, %jit3A_240 : i32
    %sign3A_242 = arith.constant 0 : i32
    %sign3A_243 = arith.cmpi sgt, %add3A_239, %sign3A_242 : i32
    %sign3A_244 = arith.extui %sign3A_243 : i1 to i32
    %sign3A_245 = arith.constant 0 : i32
    %sign3A_246 = arith.cmpi slt, %add3A_239, %sign3A_245 : i32
    %sign3A_247 = arith.extui %sign3A_246 : i1 to i32
    %sign3A_248 = arith.subi %sign3A_244, %sign3A_247 : i32
    %sign3A_249 = arith.constant 0 : i32
    %sign3A_250 = arith.cmpi sgt, %jit3A_240, %sign3A_249 : i32
    %sign3A_251 = arith.extui %sign3A_250 : i1 to i32
    %sign3A_252 = arith.constant 0 : i32
    %sign3A_253 = arith.cmpi slt, %jit3A_240, %sign3A_252 : i32
    %sign3A_254 = arith.extui %sign3A_253 : i1 to i32
    %sign3A_255 = arith.subi %sign3A_251, %sign3A_254 : i32
    %ne3A_256 = arith.cmpi ne, %sign3A_248, %sign3A_255 : i32
    %rem3A_257 = arith.remsi %add3A_239, %jit3A_240 : i32
    %ne3A_258 = arith.constant 0 : i32
    %ne3A_259 = arith.cmpi ne, %rem3A_257, %ne3A_258 : i32
    %and3A_260 = arith.andi %ne3A_256, %ne3A_259 : i1
    %sub3A_261 = arith.constant 1 : i32
    %sub3A_262 = arith.subi %div3A_241, %sub3A_261 : i32
    %select_n3A_263 = arith.select %and3A_260, %sub3A_262, %div3A_241 : i32
    %jit3A_264 = arith.constant 4 : i32
    %eq3A_265 = arith.constant 0 : i32
    %eq3A_266 = arith.cmpi eq, %jit3A_264, %eq3A_265 : i32
    %jit3A_267 = arith.constant 1 : i32
    %select_n3A_268 = arith.select %eq3A_266, %jit3A_267, %jit3A_264 : i32
    %rem3A_269 = arith.remsi %add3A_239, %select_n3A_268 : i32
    %ne3A_270 = arith.constant 0 : i32
    %ne3A_271 = arith.cmpi ne, %rem3A_269, %ne3A_270 : i32
    %lt3A_272 = arith.constant 0 : i32
    %lt3A_273 = arith.cmpi slt, %rem3A_269, %lt3A_272 : i32
    %lt3A_274 = arith.constant 0 : i32
    %lt3A_275 = arith.cmpi slt, %select_n3A_268, %lt3A_274 : i32
    %ne3A_276 = arith.xori %lt3A_273, %lt3A_275 : i1
    %and3A_277 = arith.andi %ne3A_276, %ne3A_271 : i1
    %add3A_278 = arith.addi %rem3A_269, %select_n3A_268 : i32
    %select_n3A_279 = arith.select %and3A_277, %add3A_278, %rem3A_269 : i32
    %jit3A_280 = arith.constant 8 : i32
    %eq3A_281 = arith.constant 0 : i32
    %eq3A_282 = arith.cmpi eq, %jit3A_280, %eq3A_281 : i32
    %jit3A_283 = arith.constant 1 : i32
    %select_n3A_284 = arith.select %eq3A_282, %jit3A_283, %jit3A_280 : i32
    %rem3A_285 = arith.remsi %select_n3A_263, %select_n3A_284 : i32
    %ne3A_286 = arith.constant 0 : i32
    %ne3A_287 = arith.cmpi ne, %rem3A_285, %ne3A_286 : i32
    %lt3A_288 = arith.constant 0 : i32
    %lt3A_289 = arith.cmpi slt, %rem3A_285, %lt3A_288 : i32
    %lt3A_290 = arith.constant 0 : i32
    %lt3A_291 = arith.cmpi slt, %select_n3A_284, %lt3A_290 : i32
    %ne3A_292 = arith.xori %lt3A_289, %lt3A_291 : i1
    %and3A_293 = arith.andi %ne3A_292, %ne3A_287 : i1
    %add3A_294 = arith.addi %rem3A_285, %select_n3A_284 : i32
    %select_n3A_295 = arith.select %and3A_293, %add3A_294, %rem3A_285 : i32
    %jit3A_296 = arith.constant 8 : i32
    %div3A_297 = arith.divsi %select_n3A_263, %jit3A_296 : i32
    %sign3A_298 = arith.constant 0 : i32
    %sign3A_299 = arith.cmpi sgt, %select_n3A_263, %sign3A_298 : i32
    %sign3A_300 = arith.extui %sign3A_299 : i1 to i32
    %sign3A_301 = arith.constant 0 : i32
    %sign3A_302 = arith.cmpi slt, %select_n3A_263, %sign3A_301 : i32
    %sign3A_303 = arith.extui %sign3A_302 : i1 to i32
    %sign3A_304 = arith.subi %sign3A_300, %sign3A_303 : i32
    %sign3A_305 = arith.constant 0 : i32
    %sign3A_306 = arith.cmpi sgt, %jit3A_296, %sign3A_305 : i32
    %sign3A_307 = arith.extui %sign3A_306 : i1 to i32
    %sign3A_308 = arith.constant 0 : i32
    %sign3A_309 = arith.cmpi slt, %jit3A_296, %sign3A_308 : i32
    %sign3A_310 = arith.extui %sign3A_309 : i1 to i32
    %sign3A_311 = arith.subi %sign3A_307, %sign3A_310 : i32
    %ne3A_312 = arith.cmpi ne, %sign3A_304, %sign3A_311 : i32
    %rem3A_313 = arith.remsi %select_n3A_263, %jit3A_296 : i32
    %ne3A_314 = arith.constant 0 : i32
    %ne3A_315 = arith.cmpi ne, %rem3A_313, %ne3A_314 : i32
    %and3A_316 = arith.andi %ne3A_312, %ne3A_315 : i1
    %sub3A_317 = arith.constant 1 : i32
    %sub3A_318 = arith.subi %div3A_297, %sub3A_317 : i32
    %select_n3A_319 = arith.select %and3A_316, %sub3A_318, %div3A_297 : i32
    %mul3A_320 = arith.constant 31 : i32
    %mul3A_321 = arith.muli %select_n3A_295, %mul3A_320 : i32
    %jit3A_322 = arith.constant 7 : i32
    %div3A_323 = arith.divsi %mul3A_321, %jit3A_322 : i32
    %sign3A_324 = arith.constant 0 : i32
    %sign3A_325 = arith.cmpi sgt, %mul3A_321, %sign3A_324 : i32
    %sign3A_326 = arith.extui %sign3A_325 : i1 to i32
    %sign3A_327 = arith.constant 0 : i32
    %sign3A_328 = arith.cmpi slt, %mul3A_321, %sign3A_327 : i32
    %sign3A_329 = arith.extui %sign3A_328 : i1 to i32
    %sign3A_330 = arith.subi %sign3A_326, %sign3A_329 : i32
    %sign3A_331 = arith.constant 0 : i32
    %sign3A_332 = arith.cmpi sgt, %jit3A_322, %sign3A_331 : i32
    %sign3A_333 = arith.extui %sign3A_332 : i1 to i32
    %sign3A_334 = arith.constant 0 : i32
    %sign3A_335 = arith.cmpi slt, %jit3A_322, %sign3A_334 : i32
    %sign3A_336 = arith.extui %sign3A_335 : i1 to i32
    %sign3A_337 = arith.subi %sign3A_333, %sign3A_336 : i32
    %ne3A_338 = arith.cmpi ne, %sign3A_330, %sign3A_337 : i32
    %rem3A_339 = arith.remsi %mul3A_321, %jit3A_322 : i32
    %ne3A_340 = arith.constant 0 : i32
    %ne3A_341 = arith.cmpi ne, %rem3A_339, %ne3A_340 : i32
    %and3A_342 = arith.andi %ne3A_338, %ne3A_341 : i1
    %sub3A_343 = arith.constant 1 : i32
    %sub3A_344 = arith.subi %div3A_323, %sub3A_343 : i32
    %select_n3A_345 = arith.select %and3A_342, %sub3A_344, %div3A_323 : i32
    %mul3A_346 = arith.constant 64 : i32
    %mul3A_347 = arith.muli %select_n3A_279, %mul3A_346 : i32
    %dma_start3A_348 = arith.constant 2 : i32
    %dma_start3A_349 = arith.constant 2 : i32
    %dma_start3A_350 = tpu.memref_slice %arg5[%dma_start3A_349] : memref<3x!tpu.dma_semaphore, #tpu.memory_space<semaphore_mem>> -> memref<1x!tpu.dma_semaphore, #tpu.memory_space<semaphore_mem>>
    %dma_start3A_351 = tpu.memref_squeeze %dma_start3A_350 : memref<1x!tpu.dma_semaphore, #tpu.memory_space<semaphore_mem>> -> memref<!tpu.dma_semaphore, #tpu.memory_space<semaphore_mem>>
    %dma_start3A_352 = arith.constant 0 : i32
    %dma_start3A_353 = arith.constant 0 : i32
    %dma_start3A_354 = tpu.memref_slice %arg4[%arg1, %dma_start3A_348, %dma_start3A_352, %dma_start3A_353] : memref<16x3x64x256xf32, #tpu.memory_space<vmem_shared>> -> memref<1x1x64x256xf32, #tpu.memory_space<vmem_shared>>
    %dma_start3A_355 = tpu.memref_squeeze %dma_start3A_354 : memref<1x1x64x256xf32, #tpu.memory_space<vmem_shared>> -> memref<64x256xf32, #tpu.memory_space<vmem_shared>>
    %dma_start3A_356 = arith.constant 0 : i32
    %dma_start3A_357 = tpu.memref_slice %arg2[%select_n3A_319, %select_n3A_345, %mul3A_347, %dma_start3A_356] : memref<3x32x256x256xf32, #tpu.memory_space<hbm>> -> memref<1x1x64x256xf32, #tpu.memory_space<hbm>>
    %dma_start3A_358 = tpu.memref_squeeze %dma_start3A_357 : memref<1x1x64x256xf32, #tpu.memory_space<hbm>> -> memref<64x256xf32, #tpu.memory_space<hbm>>
    tpu.enqueue_dma source(%dma_start3A_358 : memref<64x256xf32, #tpu.memory_space<hbm>>) target(%dma_start3A_355 : memref<64x256xf32, #tpu.memory_space<vmem_shared>>) target_semaphore(%dma_start3A_351 : memref<!tpu.dma_semaphore, #tpu.memory_space<semaphore_mem>>)
    %mul3A_359 = arith.constant 3 : i32
    %mul3A_360 = arith.muli %add3A, %mul3A_359 : i32
    %add3A_361 = arith.constant 0 : i32
    %add3A_362 = arith.addi %mul3A_360, %add3A_361 : i32
    %jit3A_363 = arith.constant 4 : i32
    %div3A_364 = arith.divsi %add3A_362, %jit3A_363 : i32
    %sign3A_365 = arith.constant 0 : i32
    %sign3A_366 = arith.cmpi sgt, %add3A_362, %sign3A_365 : i32
    %sign3A_367 = arith.extui %sign3A_366 : i1 to i32
    %sign3A_368 = arith.constant 0 : i32
    %sign3A_369 = arith.cmpi slt, %add3A_362, %sign3A_368 : i32
    %sign3A_370 = arith.extui %sign3A_369 : i1 to i32
    %sign3A_371 = arith.subi %sign3A_367, %sign3A_370 : i32
    %sign3A_372 = arith.constant 0 : i32
    %sign3A_373 = arith.cmpi sgt, %jit3A_363, %sign3A_372 : i32
    %sign3A_374 = arith.extui %sign3A_373 : i1 to i32
    %sign3A_375 = arith.constant 0 : i32
    %sign3A_376 = arith.cmpi slt, %jit3A_363, %sign3A_375 : i32
    %sign3A_377 = arith.extui %sign3A_376 : i1 to i32
    %sign3A_378 = arith.subi %sign3A_374, %sign3A_377 : i32
    %ne3A_379 = arith.cmpi ne, %sign3A_371, %sign3A_378 : i32
    %rem3A_380 = arith.remsi %add3A_362, %jit3A_363 : i32
    %ne3A_381 = arith.constant 0 : i32
    %ne3A_382 = arith.cmpi ne, %rem3A_380, %ne3A_381 : i32
    %and3A_383 = arith.andi %ne3A_379, %ne3A_382 : i1
    %sub3A_384 = arith.constant 1 : i32
    %sub3A_385 = arith.subi %div3A_364, %sub3A_384 : i32
    %select_n3A_386 = arith.select %and3A_383, %sub3A_385, %div3A_364 : i32
    %jit3A_387 = arith.constant 4 : i32
    %eq3A_388 = arith.constant 0 : i32
    %eq3A_389 = arith.cmpi eq, %jit3A_387, %eq3A_388 : i32
    %jit3A_390 = arith.constant 1 : i32
    %select_n3A_391 = arith.select %eq3A_389, %jit3A_390, %jit3A_387 : i32
    %rem3A_392 = arith.remsi %add3A_362, %select_n3A_391 : i32
    %ne3A_393 = arith.constant 0 : i32
    %ne3A_394 = arith.cmpi ne, %rem3A_392, %ne3A_393 : i32
    %lt3A_395 = arith.constant 0 : i32
    %lt3A_396 = arith.cmpi slt, %rem3A_392, %lt3A_395 : i32
    %lt3A_397 = arith.constant 0 : i32
    %lt3A_398 = arith.cmpi slt, %select_n3A_391, %lt3A_397 : i32
    %ne3A_399 = arith.xori %lt3A_396, %lt3A_398 : i1
    %and3A_400 = arith.andi %ne3A_399, %ne3A_394 : i1
    %add3A_401 = arith.addi %rem3A_392, %select_n3A_391 : i32
    %select_n3A_402 = arith.select %and3A_400, %add3A_401, %rem3A_392 : i32
    %jit3A_403 = arith.constant 8 : i32
    %eq3A_404 = arith.constant 0 : i32
    %eq3A_405 = arith.cmpi eq, %jit3A_403, %eq3A_404 : i32
    %jit3A_406 = arith.constant 1 : i32
    %select_n3A_407 = arith.select %eq3A_405, %jit3A_406, %jit3A_403 : i32
    %rem3A_408 = arith.remsi %select_n3A_386, %select_n3A_407 : i32
    %ne3A_409 = arith.constant 0 : i32
    %ne3A_410 = arith.cmpi ne, %rem3A_408, %ne3A_409 : i32
    %lt3A_411 = arith.constant 0 : i32
    %lt3A_412 = arith.cmpi slt, %rem3A_408, %lt3A_411 : i32
    %lt3A_413 = arith.constant 0 : i32
    %lt3A_414 = arith.cmpi slt, %select_n3A_407, %lt3A_413 : i32
    %ne3A_415 = arith.xori %lt3A_412, %lt3A_414 : i1
    %and3A_416 = arith.andi %ne3A_415, %ne3A_410 : i1
    %add3A_417 = arith.addi %rem3A_408, %select_n3A_407 : i32
    %select_n3A_418 = arith.select %and3A_416, %add3A_417, %rem3A_408 : i32
    %jit3A_419 = arith.constant 8 : i32
    %div3A_420 = arith.divsi %select_n3A_386, %jit3A_419 : i32
    %sign3A_421 = arith.constant 0 : i32
    %sign3A_422 = arith.cmpi sgt, %select_n3A_386, %sign3A_421 : i32
    %sign3A_423 = arith.extui %sign3A_422 : i1 to i32
    %sign3A_424 = arith.constant 0 : i32
    %sign3A_425 = arith.cmpi slt, %select_n3A_386, %sign3A_424 : i32
    %sign3A_426 = arith.extui %sign3A_425 : i1 to i32
    %sign3A_427 = arith.subi %sign3A_423, %sign3A_426 : i32
    %sign3A_428 = arith.constant 0 : i32
    %sign3A_429 = arith.cmpi sgt, %jit3A_419, %sign3A_428 : i32
    %sign3A_430 = arith.extui %sign3A_429 : i1 to i32
    %sign3A_431 = arith.constant 0 : i32
    %sign3A_432 = arith.cmpi slt, %jit3A_419, %sign3A_431 : i32
    %sign3A_433 = arith.extui %sign3A_432 : i1 to i32
    %sign3A_434 = arith.subi %sign3A_430, %sign3A_433 : i32
    %ne3A_435 = arith.cmpi ne, %sign3A_427, %sign3A_434 : i32
    %rem3A_436 = arith.remsi %select_n3A_386, %jit3A_419 : i32
    %ne3A_437 = arith.constant 0 : i32
    %ne3A_438 = arith.cmpi ne, %rem3A_436, %ne3A_437 : i32
    %and3A_439 = arith.andi %ne3A_435, %ne3A_438 : i1
    %sub3A_440 = arith.constant 1 : i32
    %sub3A_441 = arith.subi %div3A_420, %sub3A_440 : i32
    %select_n3A_442 = arith.select %and3A_439, %sub3A_441, %div3A_420 : i32
    %mul3A_443 = arith.constant 31 : i32
    %mul3A_444 = arith.muli %select_n3A_418, %mul3A_443 : i32
    %jit3A_445 = arith.constant 7 : i32
    %div3A_446 = arith.divsi %mul3A_444, %jit3A_445 : i32
    %sign3A_447 = arith.constant 0 : i32
    %sign3A_448 = arith.cmpi sgt, %mul3A_444, %sign3A_447 : i32
    %sign3A_449 = arith.extui %sign3A_448 : i1 to i32
    %sign3A_450 = arith.constant 0 : i32
    %sign3A_451 = arith.cmpi slt, %mul3A_444, %sign3A_450 : i32
    %sign3A_452 = arith.extui %sign3A_451 : i1 to i32
    %sign3A_453 = arith.subi %sign3A_449, %sign3A_452 : i32
    %sign3A_454 = arith.constant 0 : i32
    %sign3A_455 = arith.cmpi sgt, %jit3A_445, %sign3A_454 : i32
    %sign3A_456 = arith.extui %sign3A_455 : i1 to i32
    %sign3A_457 = arith.constant 0 : i32
    %sign3A_458 = arith.cmpi slt, %jit3A_445, %sign3A_457 : i32
    %sign3A_459 = arith.extui %sign3A_458 : i1 to i32
    %sign3A_460 = arith.subi %sign3A_456, %sign3A_459 : i32
    %ne3A_461 = arith.cmpi ne, %sign3A_453, %sign3A_460 : i32
    %rem3A_462 = arith.remsi %mul3A_444, %jit3A_445 : i32
    %ne3A_463 = arith.constant 0 : i32
    %ne3A_464 = arith.cmpi ne, %rem3A_462, %ne3A_463 : i32
    %and3A_465 = arith.andi %ne3A_461, %ne3A_464 : i1
    %sub3A_466 = arith.constant 1 : i32
    %sub3A_467 = arith.subi %div3A_446, %sub3A_466 : i32
    %select_n3A_468 = arith.select %and3A_465, %sub3A_467, %div3A_446 : i32
    %mul3A_469 = arith.constant 64 : i32
    %mul3A_470 = arith.muli %select_n3A_402, %mul3A_469 : i32
    %dma_wait3A = arith.constant 0 : i32
    %dma_wait3A_471 = arith.constant 0 : i32
    %dma_wait3A_472 = tpu.memref_slice %arg5[%dma_wait3A_471] : memref<3x!tpu.dma_semaphore, #tpu.memory_space<semaphore_mem>> -> memref<1x!tpu.dma_semaphore, #tpu.memory_space<semaphore_mem>>
    %dma_wait3A_473 = tpu.memref_squeeze %dma_wait3A_472 : memref<1x!tpu.dma_semaphore, #tpu.memory_space<semaphore_mem>> -> memref<!tpu.dma_semaphore, #tpu.memory_space<semaphore_mem>>
    %dma_wait3A_474 = arith.constant 0 : i32
    %dma_wait3A_475 = arith.constant 0 : i32
    %dma_wait3A_476 = tpu.memref_slice %arg4[%arg1, %dma_wait3A, %dma_wait3A_474, %dma_wait3A_475] : memref<16x3x64x256xf32, #tpu.memory_space<vmem_shared>> -> memref<1x1x64x256xf32, #tpu.memory_space<vmem_shared>>
    %dma_wait3A_477 = tpu.memref_squeeze %dma_wait3A_476 : memref<1x1x64x256xf32, #tpu.memory_space<vmem_shared>> -> memref<64x256xf32, #tpu.memory_space<vmem_shared>>
    %dma_wait3A_478 = arith.constant 0 : i32
    %dma_wait3A_479 = tpu.memref_slice %arg2[%select_n3A_442, %select_n3A_468, %mul3A_470, %dma_wait3A_478] : memref<3x32x256x256xf32, #tpu.memory_space<hbm>> -> memref<1x1x64x256xf32, #tpu.memory_space<hbm>>
    %dma_wait3A_480 = tpu.memref_squeeze %dma_wait3A_479 : memref<1x1x64x256xf32, #tpu.memory_space<hbm>> -> memref<64x256xf32, #tpu.memory_space<hbm>>
    tpu.wait_dma2 semaphore(%dma_wait3A_473 : memref<!tpu.dma_semaphore, #tpu.memory_space<semaphore_mem>>) src(%dma_wait3A_480 : memref<64x256xf32, #tpu.memory_space<hbm>>) dst(%dma_wait3A_477 : memref<64x256xf32, #tpu.memory_space<vmem_shared>>)
    %mul3A_481 = arith.constant 3 : i32
    %mul3A_482 = arith.muli %add3A, %mul3A_481 : i32
    %add3A_483 = arith.constant 0 : i32
    %add3A_484 = arith.addi %mul3A_482, %add3A_483 : i32
    %jit3A_485 = arith.constant 4 : i32
    %div3A_486 = arith.divsi %add3A_484, %jit3A_485 : i32
    %sign3A_487 = arith.constant 0 : i32
    %sign3A_488 = arith.cmpi sgt, %add3A_484, %sign3A_487 : i32
    %sign3A_489 = arith.extui %sign3A_488 : i1 to i32
    %sign3A_490 = arith.constant 0 : i32
    %sign3A_491 = arith.cmpi slt, %add3A_484, %sign3A_490 : i32
    %sign3A_492 = arith.extui %sign3A_491 : i1 to i32
    %sign3A_493 = arith.subi %sign3A_489, %sign3A_492 : i32
    %sign3A_494 = arith.constant 0 : i32
    %sign3A_495 = arith.cmpi sgt, %jit3A_485, %sign3A_494 : i32
    %sign3A_496 = arith.extui %sign3A_495 : i1 to i32
    %sign3A_497 = arith.constant 0 : i32
    %sign3A_498 = arith.cmpi slt, %jit3A_485, %sign3A_497 : i32
    %sign3A_499 = arith.extui %sign3A_498 : i1 to i32
    %sign3A_500 = arith.subi %sign3A_496, %sign3A_499 : i32
    %ne3A_501 = arith.cmpi ne, %sign3A_493, %sign3A_500 : i32
    %rem3A_502 = arith.remsi %add3A_484, %jit3A_485 : i32
    %ne3A_503 = arith.constant 0 : i32
    %ne3A_504 = arith.cmpi ne, %rem3A_502, %ne3A_503 : i32
    %and3A_505 = arith.andi %ne3A_501, %ne3A_504 : i1
    %sub3A_506 = arith.constant 1 : i32
    %sub3A_507 = arith.subi %div3A_486, %sub3A_506 : i32
    %select_n3A_508 = arith.select %and3A_505, %sub3A_507, %div3A_486 : i32
    %jit3A_509 = arith.constant 4 : i32
    %eq3A_510 = arith.constant 0 : i32
    %eq3A_511 = arith.cmpi eq, %jit3A_509, %eq3A_510 : i32
    %jit3A_512 = arith.constant 1 : i32
    %select_n3A_513 = arith.select %eq3A_511, %jit3A_512, %jit3A_509 : i32
    %rem3A_514 = arith.remsi %add3A_484, %select_n3A_513 : i32
    %ne3A_515 = arith.constant 0 : i32
    %ne3A_516 = arith.cmpi ne, %rem3A_514, %ne3A_515 : i32
    %lt3A_517 = arith.constant 0 : i32
    %lt3A_518 = arith.cmpi slt, %rem3A_514, %lt3A_517 : i32
    %lt3A_519 = arith.constant 0 : i32
    %lt3A_520 = arith.cmpi slt, %select_n3A_513, %lt3A_519 : i32
    %ne3A_521 = arith.xori %lt3A_518, %lt3A_520 : i1
    %and3A_522 = arith.andi %ne3A_521, %ne3A_516 : i1
    %add3A_523 = arith.addi %rem3A_514, %select_n3A_513 : i32
    %select_n3A_524 = arith.select %and3A_522, %add3A_523, %rem3A_514 : i32
    %jit3A_525 = arith.constant 8 : i32
    %eq3A_526 = arith.constant 0 : i32
    %eq3A_527 = arith.cmpi eq, %jit3A_525, %eq3A_526 : i32
    %jit3A_528 = arith.constant 1 : i32
    %select_n3A_529 = arith.select %eq3A_527, %jit3A_528, %jit3A_525 : i32
    %rem3A_530 = arith.remsi %select_n3A_508, %select_n3A_529 : i32
    %ne3A_531 = arith.constant 0 : i32
    %ne3A_532 = arith.cmpi ne, %rem3A_530, %ne3A_531 : i32
    %lt3A_533 = arith.constant 0 : i32
    %lt3A_534 = arith.cmpi slt, %rem3A_530, %lt3A_533 : i32
    %lt3A_535 = arith.constant 0 : i32
    %lt3A_536 = arith.cmpi slt, %select_n3A_529, %lt3A_535 : i32
    %ne3A_537 = arith.xori %lt3A_534, %lt3A_536 : i1
    %and3A_538 = arith.andi %ne3A_537, %ne3A_532 : i1
    %add3A_539 = arith.addi %rem3A_530, %select_n3A_529 : i32
    %select_n3A_540 = arith.select %and3A_538, %add3A_539, %rem3A_530 : i32
    %jit3A_541 = arith.constant 8 : i32
    %div3A_542 = arith.divsi %select_n3A_508, %jit3A_541 : i32
    %sign3A_543 = arith.constant 0 : i32
    %sign3A_544 = arith.cmpi sgt, %select_n3A_508, %sign3A_543 : i32
    %sign3A_545 = arith.extui %sign3A_544 : i1 to i32
    %sign3A_546 = arith.constant 0 : i32
    %sign3A_547 = arith.cmpi slt, %select_n3A_508, %sign3A_546 : i32
    %sign3A_548 = arith.extui %sign3A_547 : i1 to i32
    %sign3A_549 = arith.subi %sign3A_545, %sign3A_548 : i32
    %sign3A_550 = arith.constant 0 : i32
    %sign3A_551 = arith.cmpi sgt, %jit3A_541, %sign3A_550 : i32
    %sign3A_552 = arith.extui %sign3A_551 : i1 to i32
    %sign3A_553 = arith.constant 0 : i32
    %sign3A_554 = arith.cmpi slt, %jit3A_541, %sign3A_553 : i32
    %sign3A_555 = arith.extui %sign3A_554 : i1 to i32
    %sign3A_556 = arith.subi %sign3A_552, %sign3A_555 : i32
    %ne3A_557 = arith.cmpi ne, %sign3A_549, %sign3A_556 : i32
    %rem3A_558 = arith.remsi %select_n3A_508, %jit3A_541 : i32
    %ne3A_559 = arith.constant 0 : i32
    %ne3A_560 = arith.cmpi ne, %rem3A_558, %ne3A_559 : i32
    %and3A_561 = arith.andi %ne3A_557, %ne3A_560 : i1
    %sub3A_562 = arith.constant 1 : i32
    %sub3A_563 = arith.subi %div3A_542, %sub3A_562 : i32
    %select_n3A_564 = arith.select %and3A_561, %sub3A_563, %div3A_542 : i32
    %mul3A_565 = arith.constant 31 : i32
    %mul3A_566 = arith.muli %select_n3A_540, %mul3A_565 : i32
    %jit3A_567 = arith.constant 7 : i32
    %div3A_568 = arith.divsi %mul3A_566, %jit3A_567 : i32
    %sign3A_569 = arith.constant 0 : i32
    %sign3A_570 = arith.cmpi sgt, %mul3A_566, %sign3A_569 : i32
    %sign3A_571 = arith.extui %sign3A_570 : i1 to i32
    %sign3A_572 = arith.constant 0 : i32
    %sign3A_573 = arith.cmpi slt, %mul3A_566, %sign3A_572 : i32
    %sign3A_574 = arith.extui %sign3A_573 : i1 to i32
    %sign3A_575 = arith.subi %sign3A_571, %sign3A_574 : i32
    %sign3A_576 = arith.constant 0 : i32
    %sign3A_577 = arith.cmpi sgt, %jit3A_567, %sign3A_576 : i32
    %sign3A_578 = arith.extui %sign3A_577 : i1 to i32
    %sign3A_579 = arith.constant 0 : i32
    %sign3A_580 = arith.cmpi slt, %jit3A_567, %sign3A_579 : i32
    %sign3A_581 = arith.extui %sign3A_580 : i1 to i32
    %sign3A_582 = arith.subi %sign3A_578, %sign3A_581 : i32
    %ne3A_583 = arith.cmpi ne, %sign3A_575, %sign3A_582 : i32
    %rem3A_584 = arith.remsi %mul3A_566, %jit3A_567 : i32
    %ne3A_585 = arith.constant 0 : i32
    %ne3A_586 = arith.cmpi ne, %rem3A_584, %ne3A_585 : i32
    %and3A_587 = arith.andi %ne3A_583, %ne3A_586 : i1
    %sub3A_588 = arith.constant 1 : i32
    %sub3A_589 = arith.subi %div3A_568, %sub3A_588 : i32
    %select_n3A_590 = arith.select %and3A_587, %sub3A_589, %div3A_568 : i32
    %mul3A_591 = arith.constant 64 : i32
    %mul3A_592 = arith.muli %select_n3A_524, %mul3A_591 : i32
    %dma_start3A_593 = arith.constant 0 : i32
    %dma_start3A_594 = arith.constant 0 : i32
    %dma_start3A_595 = tpu.memref_slice %arg6[%dma_start3A_594] : memref<3x!tpu.dma_semaphore, #tpu.memory_space<semaphore_mem>> -> memref<1x!tpu.dma_semaphore, #tpu.memory_space<semaphore_mem>>
    %dma_start3A_596 = tpu.memref_squeeze %dma_start3A_595 : memref<1x!tpu.dma_semaphore, #tpu.memory_space<semaphore_mem>> -> memref<!tpu.dma_semaphore, #tpu.memory_space<semaphore_mem>>
    %dma_start3A_597 = arith.constant 0 : i32
    %dma_start3A_598 = tpu.memref_slice %arg3[%select_n3A_564, %select_n3A_540, %mul3A_592, %dma_start3A_597] : memref<3x8x256x256xf32, #tpu.memory_space<hbm>> -> memref<1x1x64x256xf32, #tpu.memory_space<hbm>>
    %dma_start3A_599 = tpu.memref_squeeze %dma_start3A_598 : memref<1x1x64x256xf32, #tpu.memory_space<hbm>> -> memref<64x256xf32, #tpu.memory_space<hbm>>
    %dma_start3A_600 = arith.constant 0 : i32
    %dma_start3A_601 = arith.constant 0 : i32
    %dma_start3A_602 = tpu.memref_slice %arg4[%arg1, %dma_start3A_593, %dma_start3A_600, %dma_start3A_601] : memref<16x3x64x256xf32, #tpu.memory_space<vmem_shared>> -> memref<1x1x64x256xf32, #tpu.memory_space<vmem_shared>>
    %dma_start3A_603 = tpu.memref_squeeze %dma_start3A_602 : memref<1x1x64x256xf32, #tpu.memory_space<vmem_shared>> -> memref<64x256xf32, #tpu.memory_space<vmem_shared>>
    tpu.enqueue_dma source(%dma_start3A_603 : memref<64x256xf32, #tpu.memory_space<vmem_shared>>) target(%dma_start3A_599 : memref<64x256xf32, #tpu.memory_space<hbm>>) target_semaphore(%dma_start3A_596 : memref<!tpu.dma_semaphore, #tpu.memory_space<semaphore_mem>>)
    %mul3A_604 = arith.constant 3 : i32
    %mul3A_605 = arith.muli %add3A, %mul3A_604 : i32
    %add3A_606 = arith.constant 1 : i32
    %add3A_607 = arith.addi %mul3A_605, %add3A_606 : i32
    %jit3A_608 = arith.constant 4 : i32
    %div3A_609 = arith.divsi %add3A_607, %jit3A_608 : i32
    %sign3A_610 = arith.constant 0 : i32
    %sign3A_611 = arith.cmpi sgt, %add3A_607, %sign3A_610 : i32
    %sign3A_612 = arith.extui %sign3A_611 : i1 to i32
    %sign3A_613 = arith.constant 0 : i32
    %sign3A_614 = arith.cmpi slt, %add3A_607, %sign3A_613 : i32
    %sign3A_615 = arith.extui %sign3A_614 : i1 to i32
    %sign3A_616 = arith.subi %sign3A_612, %sign3A_615 : i32
    %sign3A_617 = arith.constant 0 : i32
    %sign3A_618 = arith.cmpi sgt, %jit3A_608, %sign3A_617 : i32
    %sign3A_619 = arith.extui %sign3A_618 : i1 to i32
    %sign3A_620 = arith.constant 0 : i32
    %sign3A_621 = arith.cmpi slt, %jit3A_608, %sign3A_620 : i32
    %sign3A_622 = arith.extui %sign3A_621 : i1 to i32
    %sign3A_623 = arith.subi %sign3A_619, %sign3A_622 : i32
    %ne3A_624 = arith.cmpi ne, %sign3A_616, %sign3A_623 : i32
    %rem3A_625 = arith.remsi %add3A_607, %jit3A_608 : i32
    %ne3A_626 = arith.constant 0 : i32
    %ne3A_627 = arith.cmpi ne, %rem3A_625, %ne3A_626 : i32
    %and3A_628 = arith.andi %ne3A_624, %ne3A_627 : i1
    %sub3A_629 = arith.constant 1 : i32
    %sub3A_630 = arith.subi %div3A_609, %sub3A_629 : i32
    %select_n3A_631 = arith.select %and3A_628, %sub3A_630, %div3A_609 : i32
    %jit3A_632 = arith.constant 4 : i32
    %eq3A_633 = arith.constant 0 : i32
    %eq3A_634 = arith.cmpi eq, %jit3A_632, %eq3A_633 : i32
    %jit3A_635 = arith.constant 1 : i32
    %select_n3A_636 = arith.select %eq3A_634, %jit3A_635, %jit3A_632 : i32
    %rem3A_637 = arith.remsi %add3A_607, %select_n3A_636 : i32
    %ne3A_638 = arith.constant 0 : i32
    %ne3A_639 = arith.cmpi ne, %rem3A_637, %ne3A_638 : i32
    %lt3A_640 = arith.constant 0 : i32
    %lt3A_641 = arith.cmpi slt, %rem3A_637, %lt3A_640 : i32
    %lt3A_642 = arith.constant 0 : i32
    %lt3A_643 = arith.cmpi slt, %select_n3A_636, %lt3A_642 : i32
    %ne3A_644 = arith.xori %lt3A_641, %lt3A_643 : i1
    %and3A_645 = arith.andi %ne3A_644, %ne3A_639 : i1
    %add3A_646 = arith.addi %rem3A_637, %select_n3A_636 : i32
    %select_n3A_647 = arith.select %and3A_645, %add3A_646, %rem3A_637 : i32
    %jit3A_648 = arith.constant 8 : i32
    %eq3A_649 = arith.constant 0 : i32
    %eq3A_650 = arith.cmpi eq, %jit3A_648, %eq3A_649 : i32
    %jit3A_651 = arith.constant 1 : i32
    %select_n3A_652 = arith.select %eq3A_650, %jit3A_651, %jit3A_648 : i32
    %rem3A_653 = arith.remsi %select_n3A_631, %select_n3A_652 : i32
    %ne3A_654 = arith.constant 0 : i32
    %ne3A_655 = arith.cmpi ne, %rem3A_653, %ne3A_654 : i32
    %lt3A_656 = arith.constant 0 : i32
    %lt3A_657 = arith.cmpi slt, %rem3A_653, %lt3A_656 : i32
    %lt3A_658 = arith.constant 0 : i32
    %lt3A_659 = arith.cmpi slt, %select_n3A_652, %lt3A_658 : i32
    %ne3A_660 = arith.xori %lt3A_657, %lt3A_659 : i1
    %and3A_661 = arith.andi %ne3A_660, %ne3A_655 : i1
    %add3A_662 = arith.addi %rem3A_653, %select_n3A_652 : i32
    %select_n3A_663 = arith.select %and3A_661, %add3A_662, %rem3A_653 : i32
    %jit3A_664 = arith.constant 8 : i32
    %div3A_665 = arith.divsi %select_n3A_631, %jit3A_664 : i32
    %sign3A_666 = arith.constant 0 : i32
    %sign3A_667 = arith.cmpi sgt, %select_n3A_631, %sign3A_666 : i32
    %sign3A_668 = arith.extui %sign3A_667 : i1 to i32
    %sign3A_669 = arith.constant 0 : i32
    %sign3A_670 = arith.cmpi slt, %select_n3A_631, %sign3A_669 : i32
    %sign3A_671 = arith.extui %sign3A_670 : i1 to i32
    %sign3A_672 = arith.subi %sign3A_668, %sign3A_671 : i32
    %sign3A_673 = arith.constant 0 : i32
    %sign3A_674 = arith.cmpi sgt, %jit3A_664, %sign3A_673 : i32
    %sign3A_675 = arith.extui %sign3A_674 : i1 to i32
    %sign3A_676 = arith.constant 0 : i32
    %sign3A_677 = arith.cmpi slt, %jit3A_664, %sign3A_676 : i32
    %sign3A_678 = arith.extui %sign3A_677 : i1 to i32
    %sign3A_679 = arith.subi %sign3A_675, %sign3A_678 : i32
    %ne3A_680 = arith.cmpi ne, %sign3A_672, %sign3A_679 : i32
    %rem3A_681 = arith.remsi %select_n3A_631, %jit3A_664 : i32
    %ne3A_682 = arith.constant 0 : i32
    %ne3A_683 = arith.cmpi ne, %rem3A_681, %ne3A_682 : i32
    %and3A_684 = arith.andi %ne3A_680, %ne3A_683 : i1
    %sub3A_685 = arith.constant 1 : i32
    %sub3A_686 = arith.subi %div3A_665, %sub3A_685 : i32
    %select_n3A_687 = arith.select %and3A_684, %sub3A_686, %div3A_665 : i32
    %mul3A_688 = arith.constant 31 : i32
    %mul3A_689 = arith.muli %select_n3A_663, %mul3A_688 : i32
    %jit3A_690 = arith.constant 7 : i32
    %div3A_691 = arith.divsi %mul3A_689, %jit3A_690 : i32
    %sign3A_692 = arith.constant 0 : i32
    %sign3A_693 = arith.cmpi sgt, %mul3A_689, %sign3A_692 : i32
    %sign3A_694 = arith.extui %sign3A_693 : i1 to i32
    %sign3A_695 = arith.constant 0 : i32
    %sign3A_696 = arith.cmpi slt, %mul3A_689, %sign3A_695 : i32
    %sign3A_697 = arith.extui %sign3A_696 : i1 to i32
    %sign3A_698 = arith.subi %sign3A_694, %sign3A_697 : i32
    %sign3A_699 = arith.constant 0 : i32
    %sign3A_700 = arith.cmpi sgt, %jit3A_690, %sign3A_699 : i32
    %sign3A_701 = arith.extui %sign3A_700 : i1 to i32
    %sign3A_702 = arith.constant 0 : i32
    %sign3A_703 = arith.cmpi slt, %jit3A_690, %sign3A_702 : i32
    %sign3A_704 = arith.extui %sign3A_703 : i1 to i32
    %sign3A_705 = arith.subi %sign3A_701, %sign3A_704 : i32
    %ne3A_706 = arith.cmpi ne, %sign3A_698, %sign3A_705 : i32
    %rem3A_707 = arith.remsi %mul3A_689, %jit3A_690 : i32
    %ne3A_708 = arith.constant 0 : i32
    %ne3A_709 = arith.cmpi ne, %rem3A_707, %ne3A_708 : i32
    %and3A_710 = arith.andi %ne3A_706, %ne3A_709 : i1
    %sub3A_711 = arith.constant 1 : i32
    %sub3A_712 = arith.subi %div3A_691, %sub3A_711 : i32
    %select_n3A_713 = arith.select %and3A_710, %sub3A_712, %div3A_691 : i32
    %mul3A_714 = arith.constant 64 : i32
    %mul3A_715 = arith.muli %select_n3A_647, %mul3A_714 : i32
    %dma_wait3A_716 = arith.constant 1 : i32
    %dma_wait3A_717 = arith.constant 1 : i32
    %dma_wait3A_718 = tpu.memref_slice %arg5[%dma_wait3A_717] : memref<3x!tpu.dma_semaphore, #tpu.memory_space<semaphore_mem>> -> memref<1x!tpu.dma_semaphore, #tpu.memory_space<semaphore_mem>>
    %dma_wait3A_719 = tpu.memref_squeeze %dma_wait3A_718 : memref<1x!tpu.dma_semaphore, #tpu.memory_space<semaphore_mem>> -> memref<!tpu.dma_semaphore, #tpu.memory_space<semaphore_mem>>
    %dma_wait3A_720 = arith.constant 0 : i32
    %dma_wait3A_721 = arith.constant 0 : i32
    %dma_wait3A_722 = tpu.memref_slice %arg4[%arg1, %dma_wait3A_716, %dma_wait3A_720, %dma_wait3A_721] : memref<16x3x64x256xf32, #tpu.memory_space<vmem_shared>> -> memref<1x1x64x256xf32, #tpu.memory_space<vmem_shared>>
    %dma_wait3A_723 = tpu.memref_squeeze %dma_wait3A_722 : memref<1x1x64x256xf32, #tpu.memory_space<vmem_shared>> -> memref<64x256xf32, #tpu.memory_space<vmem_shared>>
    %dma_wait3A_724 = arith.constant 0 : i32
    %dma_wait3A_725 = tpu.memref_slice %arg2[%select_n3A_687, %select_n3A_713, %mul3A_715, %dma_wait3A_724] : memref<3x32x256x256xf32, #tpu.memory_space<hbm>> -> memref<1x1x64x256xf32, #tpu.memory_space<hbm>>
    %dma_wait3A_726 = tpu.memref_squeeze %dma_wait3A_725 : memref<1x1x64x256xf32, #tpu.memory_space<hbm>> -> memref<64x256xf32, #tpu.memory_space<hbm>>
    tpu.wait_dma2 semaphore(%dma_wait3A_719 : memref<!tpu.dma_semaphore, #tpu.memory_space<semaphore_mem>>) src(%dma_wait3A_726 : memref<64x256xf32, #tpu.memory_space<hbm>>) dst(%dma_wait3A_723 : memref<64x256xf32, #tpu.memory_space<vmem_shared>>)
    %mul3A_727 = arith.constant 3 : i32
    %mul3A_728 = arith.muli %add3A, %mul3A_727 : i32
    %add3A_729 = arith.constant 1 : i32
    %add3A_730 = arith.addi %mul3A_728, %add3A_729 : i32
    %jit3A_731 = arith.constant 4 : i32
    %div3A_732 = arith.divsi %add3A_730, %jit3A_731 : i32
    %sign3A_733 = arith.constant 0 : i32
    %sign3A_734 = arith.cmpi sgt, %add3A_730, %sign3A_733 : i32
    %sign3A_735 = arith.extui %sign3A_734 : i1 to i32
    %sign3A_736 = arith.constant 0 : i32
    %sign3A_737 = arith.cmpi slt, %add3A_730, %sign3A_736 : i32
    %sign3A_738 = arith.extui %sign3A_737 : i1 to i32
    %sign3A_739 = arith.subi %sign3A_735, %sign3A_738 : i32
    %sign3A_740 = arith.constant 0 : i32
    %sign3A_741 = arith.cmpi sgt, %jit3A_731, %sign3A_740 : i32
    %sign3A_742 = arith.extui %sign3A_741 : i1 to i32
    %sign3A_743 = arith.constant 0 : i32
    %sign3A_744 = arith.cmpi slt, %jit3A_731, %sign3A_743 : i32
    %sign3A_745 = arith.extui %sign3A_744 : i1 to i32
    %sign3A_746 = arith.subi %sign3A_742, %sign3A_745 : i32
    %ne3A_747 = arith.cmpi ne, %sign3A_739, %sign3A_746 : i32
    %rem3A_748 = arith.remsi %add3A_730, %jit3A_731 : i32
    %ne3A_749 = arith.constant 0 : i32
    %ne3A_750 = arith.cmpi ne, %rem3A_748, %ne3A_749 : i32
    %and3A_751 = arith.andi %ne3A_747, %ne3A_750 : i1
    %sub3A_752 = arith.constant 1 : i32
    %sub3A_753 = arith.subi %div3A_732, %sub3A_752 : i32
    %select_n3A_754 = arith.select %and3A_751, %sub3A_753, %div3A_732 : i32
    %jit3A_755 = arith.constant 4 : i32
    %eq3A_756 = arith.constant 0 : i32
    %eq3A_757 = arith.cmpi eq, %jit3A_755, %eq3A_756 : i32
    %jit3A_758 = arith.constant 1 : i32
    %select_n3A_759 = arith.select %eq3A_757, %jit3A_758, %jit3A_755 : i32
    %rem3A_760 = arith.remsi %add3A_730, %select_n3A_759 : i32
    %ne3A_761 = arith.constant 0 : i32
    %ne3A_762 = arith.cmpi ne, %rem3A_760, %ne3A_761 : i32
    %lt3A_763 = arith.constant 0 : i32
    %lt3A_764 = arith.cmpi slt, %rem3A_760, %lt3A_763 : i32
    %lt3A_765 = arith.constant 0 : i32
    %lt3A_766 = arith.cmpi slt, %select_n3A_759, %lt3A_765 : i32
    %ne3A_767 = arith.xori %lt3A_764, %lt3A_766 : i1
    %and3A_768 = arith.andi %ne3A_767, %ne3A_762 : i1
    %add3A_769 = arith.addi %rem3A_760, %select_n3A_759 : i32
    %select_n3A_770 = arith.select %and3A_768, %add3A_769, %rem3A_760 : i32
    %jit3A_771 = arith.constant 8 : i32
    %eq3A_772 = arith.constant 0 : i32
    %eq3A_773 = arith.cmpi eq, %jit3A_771, %eq3A_772 : i32
    %jit3A_774 = arith.constant 1 : i32
    %select_n3A_775 = arith.select %eq3A_773, %jit3A_774, %jit3A_771 : i32
    %rem3A_776 = arith.remsi %select_n3A_754, %select_n3A_775 : i32
    %ne3A_777 = arith.constant 0 : i32
    %ne3A_778 = arith.cmpi ne, %rem3A_776, %ne3A_777 : i32
    %lt3A_779 = arith.constant 0 : i32
    %lt3A_780 = arith.cmpi slt, %rem3A_776, %lt3A_779 : i32
    %lt3A_781 = arith.constant 0 : i32
    %lt3A_782 = arith.cmpi slt, %select_n3A_775, %lt3A_781 : i32
    %ne3A_783 = arith.xori %lt3A_780, %lt3A_782 : i1
    %and3A_784 = arith.andi %ne3A_783, %ne3A_778 : i1
    %add3A_785 = arith.addi %rem3A_776, %select_n3A_775 : i32
    %select_n3A_786 = arith.select %and3A_784, %add3A_785, %rem3A_776 : i32
    %jit3A_787 = arith.constant 8 : i32
    %div3A_788 = arith.divsi %select_n3A_754, %jit3A_787 : i32
    %sign3A_789 = arith.constant 0 : i32
    %sign3A_790 = arith.cmpi sgt, %select_n3A_754, %sign3A_789 : i32
    %sign3A_791 = arith.extui %sign3A_790 : i1 to i32
    %sign3A_792 = arith.constant 0 : i32
    %sign3A_793 = arith.cmpi slt, %select_n3A_754, %sign3A_792 : i32
    %sign3A_794 = arith.extui %sign3A_793 : i1 to i32
    %sign3A_795 = arith.subi %sign3A_791, %sign3A_794 : i32
    %sign3A_796 = arith.constant 0 : i32
    %sign3A_797 = arith.cmpi sgt, %jit3A_787, %sign3A_796 : i32
    %sign3A_798 = arith.extui %sign3A_797 : i1 to i32
    %sign3A_799 = arith.constant 0 : i32
    %sign3A_800 = arith.cmpi slt, %jit3A_787, %sign3A_799 : i32
    %sign3A_801 = arith.extui %sign3A_800 : i1 to i32
    %sign3A_802 = arith.subi %sign3A_798, %sign3A_801 : i32
    %ne3A_803 = arith.cmpi ne, %sign3A_795, %sign3A_802 : i32
    %rem3A_804 = arith.remsi %select_n3A_754, %jit3A_787 : i32
    %ne3A_805 = arith.constant 0 : i32
    %ne3A_806 = arith.cmpi ne, %rem3A_804, %ne3A_805 : i32
    %and3A_807 = arith.andi %ne3A_803, %ne3A_806 : i1
    %sub3A_808 = arith.constant 1 : i32
    %sub3A_809 = arith.subi %div3A_788, %sub3A_808 : i32
    %select_n3A_810 = arith.select %and3A_807, %sub3A_809, %div3A_788 : i32
    %mul3A_811 = arith.constant 31 : i32
    %mul3A_812 = arith.muli %select_n3A_786, %mul3A_811 : i32
    %jit3A_813 = arith.constant 7 : i32
    %div3A_814 = arith.divsi %mul3A_812, %jit3A_813 : i32
    %sign3A_815 = arith.constant 0 : i32
    %sign3A_816 = arith.cmpi sgt, %mul3A_812, %sign3A_815 : i32
    %sign3A_817 = arith.extui %sign3A_816 : i1 to i32
    %sign3A_818 = arith.constant 0 : i32
    %sign3A_819 = arith.cmpi slt, %mul3A_812, %sign3A_818 : i32
    %sign3A_820 = arith.extui %sign3A_819 : i1 to i32
    %sign3A_821 = arith.subi %sign3A_817, %sign3A_820 : i32
    %sign3A_822 = arith.constant 0 : i32
    %sign3A_823 = arith.cmpi sgt, %jit3A_813, %sign3A_822 : i32
    %sign3A_824 = arith.extui %sign3A_823 : i1 to i32
    %sign3A_825 = arith.constant 0 : i32
    %sign3A_826 = arith.cmpi slt, %jit3A_813, %sign3A_825 : i32
    %sign3A_827 = arith.extui %sign3A_826 : i1 to i32
    %sign3A_828 = arith.subi %sign3A_824, %sign3A_827 : i32
    %ne3A_829 = arith.cmpi ne, %sign3A_821, %sign3A_828 : i32
    %rem3A_830 = arith.remsi %mul3A_812, %jit3A_813 : i32
    %ne3A_831 = arith.constant 0 : i32
    %ne3A_832 = arith.cmpi ne, %rem3A_830, %ne3A_831 : i32
    %and3A_833 = arith.andi %ne3A_829, %ne3A_832 : i1
    %sub3A_834 = arith.constant 1 : i32
    %sub3A_835 = arith.subi %div3A_814, %sub3A_834 : i32
    %select_n3A_836 = arith.select %and3A_833, %sub3A_835, %div3A_814 : i32
    %mul3A_837 = arith.constant 64 : i32
    %mul3A_838 = arith.muli %select_n3A_770, %mul3A_837 : i32
    %dma_start3A_839 = arith.constant 1 : i32
    %dma_start3A_840 = arith.constant 1 : i32
    %dma_start3A_841 = tpu.memref_slice %arg6[%dma_start3A_840] : memref<3x!tpu.dma_semaphore, #tpu.memory_space<semaphore_mem>> -> memref<1x!tpu.dma_semaphore, #tpu.memory_space<semaphore_mem>>
    %dma_start3A_842 = tpu.memref_squeeze %dma_start3A_841 : memref<1x!tpu.dma_semaphore, #tpu.memory_space<semaphore_mem>> -> memref<!tpu.dma_semaphore, #tpu.memory_space<semaphore_mem>>
    %dma_start3A_843 = arith.constant 0 : i32
    %dma_start3A_844 = tpu.memref_slice %arg3[%select_n3A_810, %select_n3A_786, %mul3A_838, %dma_start3A_843] : memref<3x8x256x256xf32, #tpu.memory_space<hbm>> -> memref<1x1x64x256xf32, #tpu.memory_space<hbm>>
    %dma_start3A_845 = tpu.memref_squeeze %dma_start3A_844 : memref<1x1x64x256xf32, #tpu.memory_space<hbm>> -> memref<64x256xf32, #tpu.memory_space<hbm>>
    %dma_start3A_846 = arith.constant 0 : i32
    %dma_start3A_847 = arith.constant 0 : i32
    %dma_start3A_848 = tpu.memref_slice %arg4[%arg1, %dma_start3A_839, %dma_start3A_846, %dma_start3A_847] : memref<16x3x64x256xf32, #tpu.memory_space<vmem_shared>> -> memref<1x1x64x256xf32, #tpu.memory_space<vmem_shared>>
    %dma_start3A_849 = tpu.memref_squeeze %dma_start3A_848 : memref<1x1x64x256xf32, #tpu.memory_space<vmem_shared>> -> memref<64x256xf32, #tpu.memory_space<vmem_shared>>
    tpu.enqueue_dma source(%dma_start3A_849 : memref<64x256xf32, #tpu.memory_space<vmem_shared>>) target(%dma_start3A_845 : memref<64x256xf32, #tpu.memory_space<hbm>>) target_semaphore(%dma_start3A_842 : memref<!tpu.dma_semaphore, #tpu.memory_space<semaphore_mem>>)
    %mul3A_850 = arith.constant 3 : i32
    %mul3A_851 = arith.muli %add3A, %mul3A_850 : i32
    %add3A_852 = arith.constant 2 : i32
    %add3A_853 = arith.addi %mul3A_851, %add3A_852 : i32
    %jit3A_854 = arith.constant 4 : i32
    %div3A_855 = arith.divsi %add3A_853, %jit3A_854 : i32
    %sign3A_856 = arith.constant 0 : i32
    %sign3A_857 = arith.cmpi sgt, %add3A_853, %sign3A_856 : i32
    %sign3A_858 = arith.extui %sign3A_857 : i1 to i32
    %sign3A_859 = arith.constant 0 : i32
    %sign3A_860 = arith.cmpi slt, %add3A_853, %sign3A_859 : i32
    %sign3A_861 = arith.extui %sign3A_860 : i1 to i32
    %sign3A_862 = arith.subi %sign3A_858, %sign3A_861 : i32
    %sign3A_863 = arith.constant 0 : i32
    %sign3A_864 = arith.cmpi sgt, %jit3A_854, %sign3A_863 : i32
    %sign3A_865 = arith.extui %sign3A_864 : i1 to i32
    %sign3A_866 = arith.constant 0 : i32
    %sign3A_867 = arith.cmpi slt, %jit3A_854, %sign3A_866 : i32
    %sign3A_868 = arith.extui %sign3A_867 : i1 to i32
    %sign3A_869 = arith.subi %sign3A_865, %sign3A_868 : i32
    %ne3A_870 = arith.cmpi ne, %sign3A_862, %sign3A_869 : i32
    %rem3A_871 = arith.remsi %add3A_853, %jit3A_854 : i32
    %ne3A_872 = arith.constant 0 : i32
    %ne3A_873 = arith.cmpi ne, %rem3A_871, %ne3A_872 : i32
    %and3A_874 = arith.andi %ne3A_870, %ne3A_873 : i1
    %sub3A_875 = arith.constant 1 : i32
    %sub3A_876 = arith.subi %div3A_855, %sub3A_875 : i32
    %select_n3A_877 = arith.select %and3A_874, %sub3A_876, %div3A_855 : i32
    %jit3A_878 = arith.constant 4 : i32
    %eq3A_879 = arith.constant 0 : i32
    %eq3A_880 = arith.cmpi eq, %jit3A_878, %eq3A_879 : i32
    %jit3A_881 = arith.constant 1 : i32
    %select_n3A_882 = arith.select %eq3A_880, %jit3A_881, %jit3A_878 : i32
    %rem3A_883 = arith.remsi %add3A_853, %select_n3A_882 : i32
    %ne3A_884 = arith.constant 0 : i32
    %ne3A_885 = arith.cmpi ne, %rem3A_883, %ne3A_884 : i32
    %lt3A_886 = arith.constant 0 : i32
    %lt3A_887 = arith.cmpi slt, %rem3A_883, %lt3A_886 : i32
    %lt3A_888 = arith.constant 0 : i32
    %lt3A_889 = arith.cmpi slt, %select_n3A_882, %lt3A_888 : i32
    %ne3A_890 = arith.xori %lt3A_887, %lt3A_889 : i1
    %and3A_891 = arith.andi %ne3A_890, %ne3A_885 : i1
    %add3A_892 = arith.addi %rem3A_883, %select_n3A_882 : i32
    %select_n3A_893 = arith.select %and3A_891, %add3A_892, %rem3A_883 : i32
    %jit3A_894 = arith.constant 8 : i32
    %eq3A_895 = arith.constant 0 : i32
    %eq3A_896 = arith.cmpi eq, %jit3A_894, %eq3A_895 : i32
    %jit3A_897 = arith.constant 1 : i32
    %select_n3A_898 = arith.select %eq3A_896, %jit3A_897, %jit3A_894 : i32
    %rem3A_899 = arith.remsi %select_n3A_877, %select_n3A_898 : i32
    %ne3A_900 = arith.constant 0 : i32
    %ne3A_901 = arith.cmpi ne, %rem3A_899, %ne3A_900 : i32
    %lt3A_902 = arith.constant 0 : i32
    %lt3A_903 = arith.cmpi slt, %rem3A_899, %lt3A_902 : i32
    %lt3A_904 = arith.constant 0 : i32
    %lt3A_905 = arith.cmpi slt, %select_n3A_898, %lt3A_904 : i32
    %ne3A_906 = arith.xori %lt3A_903, %lt3A_905 : i1
    %and3A_907 = arith.andi %ne3A_906, %ne3A_901 : i1
    %add3A_908 = arith.addi %rem3A_899, %select_n3A_898 : i32
    %select_n3A_909 = arith.select %and3A_907, %add3A_908, %rem3A_899 : i32
    %jit3A_910 = arith.constant 8 : i32
    %div3A_911 = arith.divsi %select_n3A_877, %jit3A_910 : i32
    %sign3A_912 = arith.constant 0 : i32
    %sign3A_913 = arith.cmpi sgt, %select_n3A_877, %sign3A_912 : i32
    %sign3A_914 = arith.extui %sign3A_913 : i1 to i32
    %sign3A_915 = arith.constant 0 : i32
    %sign3A_916 = arith.cmpi slt, %select_n3A_877, %sign3A_915 : i32
    %sign3A_917 = arith.extui %sign3A_916 : i1 to i32
    %sign3A_918 = arith.subi %sign3A_914, %sign3A_917 : i32
    %sign3A_919 = arith.constant 0 : i32
    %sign3A_920 = arith.cmpi sgt, %jit3A_910, %sign3A_919 : i32
    %sign3A_921 = arith.extui %sign3A_920 : i1 to i32
    %sign3A_922 = arith.constant 0 : i32
    %sign3A_923 = arith.cmpi slt, %jit3A_910, %sign3A_922 : i32
    %sign3A_924 = arith.extui %sign3A_923 : i1 to i32
    %sign3A_925 = arith.subi %sign3A_921, %sign3A_924 : i32
    %ne3A_926 = arith.cmpi ne, %sign3A_918, %sign3A_925 : i32
    %rem3A_927 = arith.remsi %select_n3A_877, %jit3A_910 : i32
    %ne3A_928 = arith.constant 0 : i32
    %ne3A_929 = arith.cmpi ne, %rem3A_927, %ne3A_928 : i32
    %and3A_930 = arith.andi %ne3A_926, %ne3A_929 : i1
    %sub3A_931 = arith.constant 1 : i32
    %sub3A_932 = arith.subi %div3A_911, %sub3A_931 : i32
    %select_n3A_933 = arith.select %and3A_930, %sub3A_932, %div3A_911 : i32
    %mul3A_934 = arith.constant 31 : i32
    %mul3A_935 = arith.muli %select_n3A_909, %mul3A_934 : i32
    %jit3A_936 = arith.constant 7 : i32
    %div3A_937 = arith.divsi %mul3A_935, %jit3A_936 : i32
    %sign3A_938 = arith.constant 0 : i32
    %sign3A_939 = arith.cmpi sgt, %mul3A_935, %sign3A_938 : i32
    %sign3A_940 = arith.extui %sign3A_939 : i1 to i32
    %sign3A_941 = arith.constant 0 : i32
    %sign3A_942 = arith.cmpi slt, %mul3A_935, %sign3A_941 : i32
    %sign3A_943 = arith.extui %sign3A_942 : i1 to i32
    %sign3A_944 = arith.subi %sign3A_940, %sign3A_943 : i32
    %sign3A_945 = arith.constant 0 : i32
    %sign3A_946 = arith.cmpi sgt, %jit3A_936, %sign3A_945 : i32
    %sign3A_947 = arith.extui %sign3A_946 : i1 to i32
    %sign3A_948 = arith.constant 0 : i32
    %sign3A_949 = arith.cmpi slt, %jit3A_936, %sign3A_948 : i32
    %sign3A_950 = arith.extui %sign3A_949 : i1 to i32
    %sign3A_951 = arith.subi %sign3A_947, %sign3A_950 : i32
    %ne3A_952 = arith.cmpi ne, %sign3A_944, %sign3A_951 : i32
    %rem3A_953 = arith.remsi %mul3A_935, %jit3A_936 : i32
    %ne3A_954 = arith.constant 0 : i32
    %ne3A_955 = arith.cmpi ne, %rem3A_953, %ne3A_954 : i32
    %and3A_956 = arith.andi %ne3A_952, %ne3A_955 : i1
    %sub3A_957 = arith.constant 1 : i32
    %sub3A_958 = arith.subi %div3A_937, %sub3A_957 : i32
    %select_n3A_959 = arith.select %and3A_956, %sub3A_958, %div3A_937 : i32
    %mul3A_960 = arith.constant 64 : i32
    %mul3A_961 = arith.muli %select_n3A_893, %mul3A_960 : i32
    %dma_wait3A_962 = arith.constant 2 : i32
    %dma_wait3A_963 = arith.constant 2 : i32
    %dma_wait3A_964 = tpu.memref_slice %arg5[%dma_wait3A_963] : memref<3x!tpu.dma_semaphore, #tpu.memory_space<semaphore_mem>> -> memref<1x!tpu.dma_semaphore, #tpu.memory_space<semaphore_mem>>
    %dma_wait3A_965 = tpu.memref_squeeze %dma_wait3A_964 : memref<1x!tpu.dma_semaphore, #tpu.memory_space<semaphore_mem>> -> memref<!tpu.dma_semaphore, #tpu.memory_space<semaphore_mem>>
    %dma_wait3A_966 = arith.constant 0 : i32
    %dma_wait3A_967 = arith.constant 0 : i32
    %dma_wait3A_968 = tpu.memref_slice %arg4[%arg1, %dma_wait3A_962, %dma_wait3A_966, %dma_wait3A_967] : memref<16x3x64x256xf32, #tpu.memory_space<vmem_shared>> -> memref<1x1x64x256xf32, #tpu.memory_space<vmem_shared>>
    %dma_wait3A_969 = tpu.memref_squeeze %dma_wait3A_968 : memref<1x1x64x256xf32, #tpu.memory_space<vmem_shared>> -> memref<64x256xf32, #tpu.memory_space<vmem_shared>>
    %dma_wait3A_970 = arith.constant 0 : i32
    %dma_wait3A_971 = tpu.memref_slice %arg2[%select_n3A_933, %select_n3A_959, %mul3A_961, %dma_wait3A_970] : memref<3x32x256x256xf32, #tpu.memory_space<hbm>> -> memref<1x1x64x256xf32, #tpu.memory_space<hbm>>
    %dma_wait3A_972 = tpu.memref_squeeze %dma_wait3A_971 : memref<1x1x64x256xf32, #tpu.memory_space<hbm>> -> memref<64x256xf32, #tpu.memory_space<hbm>>
    tpu.wait_dma2 semaphore(%dma_wait3A_965 : memref<!tpu.dma_semaphore, #tpu.memory_space<semaphore_mem>>) src(%dma_wait3A_972 : memref<64x256xf32, #tpu.memory_space<hbm>>) dst(%dma_wait3A_969 : memref<64x256xf32, #tpu.memory_space<vmem_shared>>)
    %mul3A_973 = arith.constant 3 : i32
    %mul3A_974 = arith.muli %add3A, %mul3A_973 : i32
    %add3A_975 = arith.constant 2 : i32
    %add3A_976 = arith.addi %mul3A_974, %add3A_975 : i32
    %jit3A_977 = arith.constant 4 : i32
    %div3A_978 = arith.divsi %add3A_976, %jit3A_977 : i32
    %sign3A_979 = arith.constant 0 : i32
    %sign3A_980 = arith.cmpi sgt, %add3A_976, %sign3A_979 : i32
    %sign3A_981 = arith.extui %sign3A_980 : i1 to i32
    %sign3A_982 = arith.constant 0 : i32
    %sign3A_983 = arith.cmpi slt, %add3A_976, %sign3A_982 : i32
    %sign3A_984 = arith.extui %sign3A_983 : i1 to i32
    %sign3A_985 = arith.subi %sign3A_981, %sign3A_984 : i32
    %sign3A_986 = arith.constant 0 : i32
    %sign3A_987 = arith.cmpi sgt, %jit3A_977, %sign3A_986 : i32
    %sign3A_988 = arith.extui %sign3A_987 : i1 to i32
    %sign3A_989 = arith.constant 0 : i32
    %sign3A_990 = arith.cmpi slt, %jit3A_977, %sign3A_989 : i32
    %sign3A_991 = arith.extui %sign3A_990 : i1 to i32
    %sign3A_992 = arith.subi %sign3A_988, %sign3A_991 : i32
    %ne3A_993 = arith.cmpi ne, %sign3A_985, %sign3A_992 : i32
    %rem3A_994 = arith.remsi %add3A_976, %jit3A_977 : i32
    %ne3A_995 = arith.constant 0 : i32
    %ne3A_996 = arith.cmpi ne, %rem3A_994, %ne3A_995 : i32
    %and3A_997 = arith.andi %ne3A_993, %ne3A_996 : i1
    %sub3A_998 = arith.constant 1 : i32
    %sub3A_999 = arith.subi %div3A_978, %sub3A_998 : i32
    %select_n3A_1000 = arith.select %and3A_997, %sub3A_999, %div3A_978 : i32
    %jit3A_1001 = arith.constant 4 : i32
    %eq3A_1002 = arith.constant 0 : i32
    %eq3A_1003 = arith.cmpi eq, %jit3A_1001, %eq3A_1002 : i32
    %jit3A_1004 = arith.constant 1 : i32
    %select_n3A_1005 = arith.select %eq3A_1003, %jit3A_1004, %jit3A_1001 : i32
    %rem3A_1006 = arith.remsi %add3A_976, %select_n3A_1005 : i32
    %ne3A_1007 = arith.constant 0 : i32
    %ne3A_1008 = arith.cmpi ne, %rem3A_1006, %ne3A_1007 : i32
    %lt3A_1009 = arith.constant 0 : i32
    %lt3A_1010 = arith.cmpi slt, %rem3A_1006, %lt3A_1009 : i32
    %lt3A_1011 = arith.constant 0 : i32
    %lt3A_1012 = arith.cmpi slt, %select_n3A_1005, %lt3A_1011 : i32
    %ne3A_1013 = arith.xori %lt3A_1010, %lt3A_1012 : i1
    %and3A_1014 = arith.andi %ne3A_1013, %ne3A_1008 : i1
    %add3A_1015 = arith.addi %rem3A_1006, %select_n3A_1005 : i32
    %select_n3A_1016 = arith.select %and3A_1014, %add3A_1015, %rem3A_1006 : i32
    %jit3A_1017 = arith.constant 8 : i32
    %eq3A_1018 = arith.constant 0 : i32
    %eq3A_1019 = arith.cmpi eq, %jit3A_1017, %eq3A_1018 : i32
    %jit3A_1020 = arith.constant 1 : i32
    %select_n3A_1021 = arith.select %eq3A_1019, %jit3A_1020, %jit3A_1017 : i32
    %rem3A_1022 = arith.remsi %select_n3A_1000, %select_n3A_1021 : i32
    %ne3A_1023 = arith.constant 0 : i32
    %ne3A_1024 = arith.cmpi ne, %rem3A_1022, %ne3A_1023 : i32
    %lt3A_1025 = arith.constant 0 : i32
    %lt3A_1026 = arith.cmpi slt, %rem3A_1022, %lt3A_1025 : i32
    %lt3A_1027 = arith.constant 0 : i32
    %lt3A_1028 = arith.cmpi slt, %select_n3A_1021, %lt3A_1027 : i32
    %ne3A_1029 = arith.xori %lt3A_1026, %lt3A_1028 : i1
    %and3A_1030 = arith.andi %ne3A_1029, %ne3A_1024 : i1
    %add3A_1031 = arith.addi %rem3A_1022, %select_n3A_1021 : i32
    %select_n3A_1032 = arith.select %and3A_1030, %add3A_1031, %rem3A_1022 : i32
    %jit3A_1033 = arith.constant 8 : i32
    %div3A_1034 = arith.divsi %select_n3A_1000, %jit3A_1033 : i32
    %sign3A_1035 = arith.constant 0 : i32
    %sign3A_1036 = arith.cmpi sgt, %select_n3A_1000, %sign3A_1035 : i32
    %sign3A_1037 = arith.extui %sign3A_1036 : i1 to i32
    %sign3A_1038 = arith.constant 0 : i32
    %sign3A_1039 = arith.cmpi slt, %select_n3A_1000, %sign3A_1038 : i32
    %sign3A_1040 = arith.extui %sign3A_1039 : i1 to i32
    %sign3A_1041 = arith.subi %sign3A_1037, %sign3A_1040 : i32
    %sign3A_1042 = arith.constant 0 : i32
    %sign3A_1043 = arith.cmpi sgt, %jit3A_1033, %sign3A_1042 : i32
    %sign3A_1044 = arith.extui %sign3A_1043 : i1 to i32
    %sign3A_1045 = arith.constant 0 : i32
    %sign3A_1046 = arith.cmpi slt, %jit3A_1033, %sign3A_1045 : i32
    %sign3A_1047 = arith.extui %sign3A_1046 : i1 to i32
    %sign3A_1048 = arith.subi %sign3A_1044, %sign3A_1047 : i32
    %ne3A_1049 = arith.cmpi ne, %sign3A_1041, %sign3A_1048 : i32
    %rem3A_1050 = arith.remsi %select_n3A_1000, %jit3A_1033 : i32
    %ne3A_1051 = arith.constant 0 : i32
    %ne3A_1052 = arith.cmpi ne, %rem3A_1050, %ne3A_1051 : i32
    %and3A_1053 = arith.andi %ne3A_1049, %ne3A_1052 : i1
    %sub3A_1054 = arith.constant 1 : i32
    %sub3A_1055 = arith.subi %div3A_1034, %sub3A_1054 : i32
    %select_n3A_1056 = arith.select %and3A_1053, %sub3A_1055, %div3A_1034 : i32
    %mul3A_1057 = arith.constant 31 : i32
    %mul3A_1058 = arith.muli %select_n3A_1032, %mul3A_1057 : i32
    %jit3A_1059 = arith.constant 7 : i32
    %div3A_1060 = arith.divsi %mul3A_1058, %jit3A_1059 : i32
    %sign3A_1061 = arith.constant 0 : i32
    %sign3A_1062 = arith.cmpi sgt, %mul3A_1058, %sign3A_1061 : i32
    %sign3A_1063 = arith.extui %sign3A_1062 : i1 to i32
    %sign3A_1064 = arith.constant 0 : i32
    %sign3A_1065 = arith.cmpi slt, %mul3A_1058, %sign3A_1064 : i32
    %sign3A_1066 = arith.extui %sign3A_1065 : i1 to i32
    %sign3A_1067 = arith.subi %sign3A_1063, %sign3A_1066 : i32
    %sign3A_1068 = arith.constant 0 : i32
    %sign3A_1069 = arith.cmpi sgt, %jit3A_1059, %sign3A_1068 : i32
    %sign3A_1070 = arith.extui %sign3A_1069 : i1 to i32
    %sign3A_1071 = arith.constant 0 : i32
    %sign3A_1072 = arith.cmpi slt, %jit3A_1059, %sign3A_1071 : i32
    %sign3A_1073 = arith.extui %sign3A_1072 : i1 to i32
    %sign3A_1074 = arith.subi %sign3A_1070, %sign3A_1073 : i32
    %ne3A_1075 = arith.cmpi ne, %sign3A_1067, %sign3A_1074 : i32
    %rem3A_1076 = arith.remsi %mul3A_1058, %jit3A_1059 : i32
    %ne3A_1077 = arith.constant 0 : i32
    %ne3A_1078 = arith.cmpi ne, %rem3A_1076, %ne3A_1077 : i32
    %and3A_1079 = arith.andi %ne3A_1075, %ne3A_1078 : i1
    %sub3A_1080 = arith.constant 1 : i32
    %sub3A_1081 = arith.subi %div3A_1060, %sub3A_1080 : i32
    %select_n3A_1082 = arith.select %and3A_1079, %sub3A_1081, %div3A_1060 : i32
    %mul3A_1083 = arith.constant 64 : i32
    %mul3A_1084 = arith.muli %select_n3A_1016, %mul3A_1083 : i32
    %dma_start3A_1085 = arith.constant 2 : i32
    %dma_start3A_1086 = arith.constant 2 : i32
    %dma_start3A_1087 = tpu.memref_slice %arg6[%dma_start3A_1086] : memref<3x!tpu.dma_semaphore, #tpu.memory_space<semaphore_mem>> -> memref<1x!tpu.dma_semaphore, #tpu.memory_space<semaphore_mem>>
    %dma_start3A_1088 = tpu.memref_squeeze %dma_start3A_1087 : memref<1x!tpu.dma_semaphore, #tpu.memory_space<semaphore_mem>> -> memref<!tpu.dma_semaphore, #tpu.memory_space<semaphore_mem>>
    %dma_start3A_1089 = arith.constant 0 : i32
    %dma_start3A_1090 = tpu.memref_slice %arg3[%select_n3A_1056, %select_n3A_1032, %mul3A_1084, %dma_start3A_1089] : memref<3x8x256x256xf32, #tpu.memory_space<hbm>> -> memref<1x1x64x256xf32, #tpu.memory_space<hbm>>
    %dma_start3A_1091 = tpu.memref_squeeze %dma_start3A_1090 : memref<1x1x64x256xf32, #tpu.memory_space<hbm>> -> memref<64x256xf32, #tpu.memory_space<hbm>>
    %dma_start3A_1092 = arith.constant 0 : i32
    %dma_start3A_1093 = arith.constant 0 : i32
    %dma_start3A_1094 = tpu.memref_slice %arg4[%arg1, %dma_start3A_1085, %dma_start3A_1092, %dma_start3A_1093] : memref<16x3x64x256xf32, #tpu.memory_space<vmem_shared>> -> memref<1x1x64x256xf32, #tpu.memory_space<vmem_shared>>
    %dma_start3A_1095 = tpu.memref_squeeze %dma_start3A_1094 : memref<1x1x64x256xf32, #tpu.memory_space<vmem_shared>> -> memref<64x256xf32, #tpu.memory_space<vmem_shared>>
    tpu.enqueue_dma source(%dma_start3A_1095 : memref<64x256xf32, #tpu.memory_space<vmem_shared>>) target(%dma_start3A_1091 : memref<64x256xf32, #tpu.memory_space<hbm>>) target_semaphore(%dma_start3A_1088 : memref<!tpu.dma_semaphore, #tpu.memory_space<semaphore_mem>>)
    %mul3A_1096 = arith.constant 3 : i32
    %mul3A_1097 = arith.muli %add3A, %mul3A_1096 : i32
    %add3A_1098 = arith.constant 0 : i32
    %add3A_1099 = arith.addi %mul3A_1097, %add3A_1098 : i32
    %jit3A_1100 = arith.constant 4 : i32
    %div3A_1101 = arith.divsi %add3A_1099, %jit3A_1100 : i32
    %sign3A_1102 = arith.constant 0 : i32
    %sign3A_1103 = arith.cmpi sgt, %add3A_1099, %sign3A_1102 : i32
    %sign3A_1104 = arith.extui %sign3A_1103 : i1 to i32
    %sign3A_1105 = arith.constant 0 : i32
    %sign3A_1106 = arith.cmpi slt, %add3A_1099, %sign3A_1105 : i32
    %sign3A_1107 = arith.extui %sign3A_1106 : i1 to i32
    %sign3A_1108 = arith.subi %sign3A_1104, %sign3A_1107 : i32
    %sign3A_1109 = arith.constant 0 : i32
    %sign3A_1110 = arith.cmpi sgt, %jit3A_1100, %sign3A_1109 : i32
    %sign3A_1111 = arith.extui %sign3A_1110 : i1 to i32
    %sign3A_1112 = arith.constant 0 : i32
    %sign3A_1113 = arith.cmpi slt, %jit3A_1100, %sign3A_1112 : i32
    %sign3A_1114 = arith.extui %sign3A_1113 : i1 to i32
    %sign3A_1115 = arith.subi %sign3A_1111, %sign3A_1114 : i32
    %ne3A_1116 = arith.cmpi ne, %sign3A_1108, %sign3A_1115 : i32
    %rem3A_1117 = arith.remsi %add3A_1099, %jit3A_1100 : i32
    %ne3A_1118 = arith.constant 0 : i32
    %ne3A_1119 = arith.cmpi ne, %rem3A_1117, %ne3A_1118 : i32
    %and3A_1120 = arith.andi %ne3A_1116, %ne3A_1119 : i1
    %sub3A_1121 = arith.constant 1 : i32
    %sub3A_1122 = arith.subi %div3A_1101, %sub3A_1121 : i32
    %select_n3A_1123 = arith.select %and3A_1120, %sub3A_1122, %div3A_1101 : i32
    %jit3A_1124 = arith.constant 4 : i32
    %eq3A_1125 = arith.constant 0 : i32
    %eq3A_1126 = arith.cmpi eq, %jit3A_1124, %eq3A_1125 : i32
    %jit3A_1127 = arith.constant 1 : i32
    %select_n3A_1128 = arith.select %eq3A_1126, %jit3A_1127, %jit3A_1124 : i32
    %rem3A_1129 = arith.remsi %add3A_1099, %select_n3A_1128 : i32
    %ne3A_1130 = arith.constant 0 : i32
    %ne3A_1131 = arith.cmpi ne, %rem3A_1129, %ne3A_1130 : i32
    %lt3A_1132 = arith.constant 0 : i32
    %lt3A_1133 = arith.cmpi slt, %rem3A_1129, %lt3A_1132 : i32
    %lt3A_1134 = arith.constant 0 : i32
    %lt3A_1135 = arith.cmpi slt, %select_n3A_1128, %lt3A_1134 : i32
    %ne3A_1136 = arith.xori %lt3A_1133, %lt3A_1135 : i1
    %and3A_1137 = arith.andi %ne3A_1136, %ne3A_1131 : i1
    %add3A_1138 = arith.addi %rem3A_1129, %select_n3A_1128 : i32
    %select_n3A_1139 = arith.select %and3A_1137, %add3A_1138, %rem3A_1129 : i32
    %jit3A_1140 = arith.constant 8 : i32
    %eq3A_1141 = arith.constant 0 : i32
    %eq3A_1142 = arith.cmpi eq, %jit3A_1140, %eq3A_1141 : i32
    %jit3A_1143 = arith.constant 1 : i32
    %select_n3A_1144 = arith.select %eq3A_1142, %jit3A_1143, %jit3A_1140 : i32
    %rem3A_1145 = arith.remsi %select_n3A_1123, %select_n3A_1144 : i32
    %ne3A_1146 = arith.constant 0 : i32
    %ne3A_1147 = arith.cmpi ne, %rem3A_1145, %ne3A_1146 : i32
    %lt3A_1148 = arith.constant 0 : i32
    %lt3A_1149 = arith.cmpi slt, %rem3A_1145, %lt3A_1148 : i32
    %lt3A_1150 = arith.constant 0 : i32
    %lt3A_1151 = arith.cmpi slt, %select_n3A_1144, %lt3A_1150 : i32
    %ne3A_1152 = arith.xori %lt3A_1149, %lt3A_1151 : i1
    %and3A_1153 = arith.andi %ne3A_1152, %ne3A_1147 : i1
    %add3A_1154 = arith.addi %rem3A_1145, %select_n3A_1144 : i32
    %select_n3A_1155 = arith.select %and3A_1153, %add3A_1154, %rem3A_1145 : i32
    %jit3A_1156 = arith.constant 8 : i32
    %div3A_1157 = arith.divsi %select_n3A_1123, %jit3A_1156 : i32
    %sign3A_1158 = arith.constant 0 : i32
    %sign3A_1159 = arith.cmpi sgt, %select_n3A_1123, %sign3A_1158 : i32
    %sign3A_1160 = arith.extui %sign3A_1159 : i1 to i32
    %sign3A_1161 = arith.constant 0 : i32
    %sign3A_1162 = arith.cmpi slt, %select_n3A_1123, %sign3A_1161 : i32
    %sign3A_1163 = arith.extui %sign3A_1162 : i1 to i32
    %sign3A_1164 = arith.subi %sign3A_1160, %sign3A_1163 : i32
    %sign3A_1165 = arith.constant 0 : i32
    %sign3A_1166 = arith.cmpi sgt, %jit3A_1156, %sign3A_1165 : i32
    %sign3A_1167 = arith.extui %sign3A_1166 : i1 to i32
    %sign3A_1168 = arith.constant 0 : i32
    %sign3A_1169 = arith.cmpi slt, %jit3A_1156, %sign3A_1168 : i32
    %sign3A_1170 = arith.extui %sign3A_1169 : i1 to i32
    %sign3A_1171 = arith.subi %sign3A_1167, %sign3A_1170 : i32
    %ne3A_1172 = arith.cmpi ne, %sign3A_1164, %sign3A_1171 : i32
    %rem3A_1173 = arith.remsi %select_n3A_1123, %jit3A_1156 : i32
    %ne3A_1174 = arith.constant 0 : i32
    %ne3A_1175 = arith.cmpi ne, %rem3A_1173, %ne3A_1174 : i32
    %and3A_1176 = arith.andi %ne3A_1172, %ne3A_1175 : i1
    %sub3A_1177 = arith.constant 1 : i32
    %sub3A_1178 = arith.subi %div3A_1157, %sub3A_1177 : i32
    %select_n3A_1179 = arith.select %and3A_1176, %sub3A_1178, %div3A_1157 : i32
    %mul3A_1180 = arith.constant 31 : i32
    %mul3A_1181 = arith.muli %select_n3A_1155, %mul3A_1180 : i32
    %jit3A_1182 = arith.constant 7 : i32
    %div3A_1183 = arith.divsi %mul3A_1181, %jit3A_1182 : i32
    %sign3A_1184 = arith.constant 0 : i32
    %sign3A_1185 = arith.cmpi sgt, %mul3A_1181, %sign3A_1184 : i32
    %sign3A_1186 = arith.extui %sign3A_1185 : i1 to i32
    %sign3A_1187 = arith.constant 0 : i32
    %sign3A_1188 = arith.cmpi slt, %mul3A_1181, %sign3A_1187 : i32
    %sign3A_1189 = arith.extui %sign3A_1188 : i1 to i32
    %sign3A_1190 = arith.subi %sign3A_1186, %sign3A_1189 : i32
    %sign3A_1191 = arith.constant 0 : i32
    %sign3A_1192 = arith.cmpi sgt, %jit3A_1182, %sign3A_1191 : i32
    %sign3A_1193 = arith.extui %sign3A_1192 : i1 to i32
    %sign3A_1194 = arith.constant 0 : i32
    %sign3A_1195 = arith.cmpi slt, %jit3A_1182, %sign3A_1194 : i32
    %sign3A_1196 = arith.extui %sign3A_1195 : i1 to i32
    %sign3A_1197 = arith.subi %sign3A_1193, %sign3A_1196 : i32
    %ne3A_1198 = arith.cmpi ne, %sign3A_1190, %sign3A_1197 : i32
    %rem3A_1199 = arith.remsi %mul3A_1181, %jit3A_1182 : i32
    %ne3A_1200 = arith.constant 0 : i32
    %ne3A_1201 = arith.cmpi ne, %rem3A_1199, %ne3A_1200 : i32
    %and3A_1202 = arith.andi %ne3A_1198, %ne3A_1201 : i1
    %sub3A_1203 = arith.constant 1 : i32
    %sub3A_1204 = arith.subi %div3A_1183, %sub3A_1203 : i32
    %select_n3A_1205 = arith.select %and3A_1202, %sub3A_1204, %div3A_1183 : i32
    %mul3A_1206 = arith.constant 64 : i32
    %mul3A_1207 = arith.muli %select_n3A_1139, %mul3A_1206 : i32
    %dma_wait3A_1208 = arith.constant 0 : i32
    %dma_wait3A_1209 = arith.constant 0 : i32
    %dma_wait3A_1210 = tpu.memref_slice %arg6[%dma_wait3A_1209] : memref<3x!tpu.dma_semaphore, #tpu.memory_space<semaphore_mem>> -> memref<1x!tpu.dma_semaphore, #tpu.memory_space<semaphore_mem>>
    %dma_wait3A_1211 = tpu.memref_squeeze %dma_wait3A_1210 : memref<1x!tpu.dma_semaphore, #tpu.memory_space<semaphore_mem>> -> memref<!tpu.dma_semaphore, #tpu.memory_space<semaphore_mem>>
    %dma_wait3A_1212 = arith.constant 0 : i32
    %dma_wait3A_1213 = tpu.memref_slice %arg3[%select_n3A_1179, %select_n3A_1155, %mul3A_1207, %dma_wait3A_1212] : memref<3x8x256x256xf32, #tpu.memory_space<hbm>> -> memref<1x1x64x256xf32, #tpu.memory_space<hbm>>
    %dma_wait3A_1214 = tpu.memref_squeeze %dma_wait3A_1213 : memref<1x1x64x256xf32, #tpu.memory_space<hbm>> -> memref<64x256xf32, #tpu.memory_space<hbm>>
    %dma_wait3A_1215 = arith.constant 0 : i32
    %dma_wait3A_1216 = arith.constant 0 : i32
    %dma_wait3A_1217 = tpu.memref_slice %arg4[%arg1, %dma_wait3A_1208, %dma_wait3A_1215, %dma_wait3A_1216] : memref<16x3x64x256xf32, #tpu.memory_space<vmem_shared>> -> memref<1x1x64x256xf32, #tpu.memory_space<vmem_shared>>
    %dma_wait3A_1218 = tpu.memref_squeeze %dma_wait3A_1217 : memref<1x1x64x256xf32, #tpu.memory_space<vmem_shared>> -> memref<64x256xf32, #tpu.memory_space<vmem_shared>>
    tpu.wait_dma2 semaphore(%dma_wait3A_1211 : memref<!tpu.dma_semaphore, #tpu.memory_space<semaphore_mem>>) src(%dma_wait3A_1218 : memref<64x256xf32, #tpu.memory_space<vmem_shared>>) dst(%dma_wait3A_1214 : memref<64x256xf32, #tpu.memory_space<hbm>>)
    %mul3A_1219 = arith.constant 3 : i32
    %mul3A_1220 = arith.muli %add3A, %mul3A_1219 : i32
    %add3A_1221 = arith.constant 1 : i32
    %add3A_1222 = arith.addi %mul3A_1220, %add3A_1221 : i32
    %jit3A_1223 = arith.constant 4 : i32
    %div3A_1224 = arith.divsi %add3A_1222, %jit3A_1223 : i32
    %sign3A_1225 = arith.constant 0 : i32
    %sign3A_1226 = arith.cmpi sgt, %add3A_1222, %sign3A_1225 : i32
    %sign3A_1227 = arith.extui %sign3A_1226 : i1 to i32
    %sign3A_1228 = arith.constant 0 : i32
    %sign3A_1229 = arith.cmpi slt, %add3A_1222, %sign3A_1228 : i32
    %sign3A_1230 = arith.extui %sign3A_1229 : i1 to i32
    %sign3A_1231 = arith.subi %sign3A_1227, %sign3A_1230 : i32
    %sign3A_1232 = arith.constant 0 : i32
    %sign3A_1233 = arith.cmpi sgt, %jit3A_1223, %sign3A_1232 : i32
    %sign3A_1234 = arith.extui %sign3A_1233 : i1 to i32
    %sign3A_1235 = arith.constant 0 : i32
    %sign3A_1236 = arith.cmpi slt, %jit3A_1223, %sign3A_1235 : i32
    %sign3A_1237 = arith.extui %sign3A_1236 : i1 to i32
    %sign3A_1238 = arith.subi %sign3A_1234, %sign3A_1237 : i32
    %ne3A_1239 = arith.cmpi ne, %sign3A_1231, %sign3A_1238 : i32
    %rem3A_1240 = arith.remsi %add3A_1222, %jit3A_1223 : i32
    %ne3A_1241 = arith.constant 0 : i32
    %ne3A_1242 = arith.cmpi ne, %rem3A_1240, %ne3A_1241 : i32
    %and3A_1243 = arith.andi %ne3A_1239, %ne3A_1242 : i1
    %sub3A_1244 = arith.constant 1 : i32
    %sub3A_1245 = arith.subi %div3A_1224, %sub3A_1244 : i32
    %select_n3A_1246 = arith.select %and3A_1243, %sub3A_1245, %div3A_1224 : i32
    %jit3A_1247 = arith.constant 4 : i32
    %eq3A_1248 = arith.constant 0 : i32
    %eq3A_1249 = arith.cmpi eq, %jit3A_1247, %eq3A_1248 : i32
    %jit3A_1250 = arith.constant 1 : i32
    %select_n3A_1251 = arith.select %eq3A_1249, %jit3A_1250, %jit3A_1247 : i32
    %rem3A_1252 = arith.remsi %add3A_1222, %select_n3A_1251 : i32
    %ne3A_1253 = arith.constant 0 : i32
    %ne3A_1254 = arith.cmpi ne, %rem3A_1252, %ne3A_1253 : i32
    %lt3A_1255 = arith.constant 0 : i32
    %lt3A_1256 = arith.cmpi slt, %rem3A_1252, %lt3A_1255 : i32
    %lt3A_1257 = arith.constant 0 : i32
    %lt3A_1258 = arith.cmpi slt, %select_n3A_1251, %lt3A_1257 : i32
    %ne3A_1259 = arith.xori %lt3A_1256, %lt3A_1258 : i1
    %and3A_1260 = arith.andi %ne3A_1259, %ne3A_1254 : i1
    %add3A_1261 = arith.addi %rem3A_1252, %select_n3A_1251 : i32
    %select_n3A_1262 = arith.select %and3A_1260, %add3A_1261, %rem3A_1252 : i32
    %jit3A_1263 = arith.constant 8 : i32
    %eq3A_1264 = arith.constant 0 : i32
    %eq3A_1265 = arith.cmpi eq, %jit3A_1263, %eq3A_1264 : i32
    %jit3A_1266 = arith.constant 1 : i32
    %select_n3A_1267 = arith.select %eq3A_1265, %jit3A_1266, %jit3A_1263 : i32
    %rem3A_1268 = arith.remsi %select_n3A_1246, %select_n3A_1267 : i32
    %ne3A_1269 = arith.constant 0 : i32
    %ne3A_1270 = arith.cmpi ne, %rem3A_1268, %ne3A_1269 : i32
    %lt3A_1271 = arith.constant 0 : i32
    %lt3A_1272 = arith.cmpi slt, %rem3A_1268, %lt3A_1271 : i32
    %lt3A_1273 = arith.constant 0 : i32
    %lt3A_1274 = arith.cmpi slt, %select_n3A_1267, %lt3A_1273 : i32
    %ne3A_1275 = arith.xori %lt3A_1272, %lt3A_1274 : i1
    %and3A_1276 = arith.andi %ne3A_1275, %ne3A_1270 : i1
    %add3A_1277 = arith.addi %rem3A_1268, %select_n3A_1267 : i32
    %select_n3A_1278 = arith.select %and3A_1276, %add3A_1277, %rem3A_1268 : i32
    %jit3A_1279 = arith.constant 8 : i32
    %div3A_1280 = arith.divsi %select_n3A_1246, %jit3A_1279 : i32
    %sign3A_1281 = arith.constant 0 : i32
    %sign3A_1282 = arith.cmpi sgt, %select_n3A_1246, %sign3A_1281 : i32
    %sign3A_1283 = arith.extui %sign3A_1282 : i1 to i32
    %sign3A_1284 = arith.constant 0 : i32
    %sign3A_1285 = arith.cmpi slt, %select_n3A_1246, %sign3A_1284 : i32
    %sign3A_1286 = arith.extui %sign3A_1285 : i1 to i32
    %sign3A_1287 = arith.subi %sign3A_1283, %sign3A_1286 : i32
    %sign3A_1288 = arith.constant 0 : i32
    %sign3A_1289 = arith.cmpi sgt, %jit3A_1279, %sign3A_1288 : i32
    %sign3A_1290 = arith.extui %sign3A_1289 : i1 to i32
    %sign3A_1291 = arith.constant 0 : i32
    %sign3A_1292 = arith.cmpi slt, %jit3A_1279, %sign3A_1291 : i32
    %sign3A_1293 = arith.extui %sign3A_1292 : i1 to i32
    %sign3A_1294 = arith.subi %sign3A_1290, %sign3A_1293 : i32
    %ne3A_1295 = arith.cmpi ne, %sign3A_1287, %sign3A_1294 : i32
    %rem3A_1296 = arith.remsi %select_n3A_1246, %jit3A_1279 : i32
    %ne3A_1297 = arith.constant 0 : i32
    %ne3A_1298 = arith.cmpi ne, %rem3A_1296, %ne3A_1297 : i32
    %and3A_1299 = arith.andi %ne3A_1295, %ne3A_1298 : i1
    %sub3A_1300 = arith.constant 1 : i32
    %sub3A_1301 = arith.subi %div3A_1280, %sub3A_1300 : i32
    %select_n3A_1302 = arith.select %and3A_1299, %sub3A_1301, %div3A_1280 : i32
    %mul3A_1303 = arith.constant 31 : i32
    %mul3A_1304 = arith.muli %select_n3A_1278, %mul3A_1303 : i32
    %jit3A_1305 = arith.constant 7 : i32
    %div3A_1306 = arith.divsi %mul3A_1304, %jit3A_1305 : i32
    %sign3A_1307 = arith.constant 0 : i32
    %sign3A_1308 = arith.cmpi sgt, %mul3A_1304, %sign3A_1307 : i32
    %sign3A_1309 = arith.extui %sign3A_1308 : i1 to i32
    %sign3A_1310 = arith.constant 0 : i32
    %sign3A_1311 = arith.cmpi slt, %mul3A_1304, %sign3A_1310 : i32
    %sign3A_1312 = arith.extui %sign3A_1311 : i1 to i32
    %sign3A_1313 = arith.subi %sign3A_1309, %sign3A_1312 : i32
    %sign3A_1314 = arith.constant 0 : i32
    %sign3A_1315 = arith.cmpi sgt, %jit3A_1305, %sign3A_1314 : i32
    %sign3A_1316 = arith.extui %sign3A_1315 : i1 to i32
    %sign3A_1317 = arith.constant 0 : i32
    %sign3A_1318 = arith.cmpi slt, %jit3A_1305, %sign3A_1317 : i32
    %sign3A_1319 = arith.extui %sign3A_1318 : i1 to i32
    %sign3A_1320 = arith.subi %sign3A_1316, %sign3A_1319 : i32
    %ne3A_1321 = arith.cmpi ne, %sign3A_1313, %sign3A_1320 : i32
    %rem3A_1322 = arith.remsi %mul3A_1304, %jit3A_1305 : i32
    %ne3A_1323 = arith.constant 0 : i32
    %ne3A_1324 = arith.cmpi ne, %rem3A_1322, %ne3A_1323 : i32
    %and3A_1325 = arith.andi %ne3A_1321, %ne3A_1324 : i1
    %sub3A_1326 = arith.constant 1 : i32
    %sub3A_1327 = arith.subi %div3A_1306, %sub3A_1326 : i32
    %select_n3A_1328 = arith.select %and3A_1325, %sub3A_1327, %div3A_1306 : i32
    %mul3A_1329 = arith.constant 64 : i32
    %mul3A_1330 = arith.muli %select_n3A_1262, %mul3A_1329 : i32
    %dma_wait3A_1331 = arith.constant 1 : i32
    %dma_wait3A_1332 = arith.constant 1 : i32
    %dma_wait3A_1333 = tpu.memref_slice %arg6[%dma_wait3A_1332] : memref<3x!tpu.dma_semaphore, #tpu.memory_space<semaphore_mem>> -> memref<1x!tpu.dma_semaphore, #tpu.memory_space<semaphore_mem>>
    %dma_wait3A_1334 = tpu.memref_squeeze %dma_wait3A_1333 : memref<1x!tpu.dma_semaphore, #tpu.memory_space<semaphore_mem>> -> memref<!tpu.dma_semaphore, #tpu.memory_space<semaphore_mem>>
    %dma_wait3A_1335 = arith.constant 0 : i32
    %dma_wait3A_1336 = tpu.memref_slice %arg3[%select_n3A_1302, %select_n3A_1278, %mul3A_1330, %dma_wait3A_1335] : memref<3x8x256x256xf32, #tpu.memory_space<hbm>> -> memref<1x1x64x256xf32, #tpu.memory_space<hbm>>
    %dma_wait3A_1337 = tpu.memref_squeeze %dma_wait3A_1336 : memref<1x1x64x256xf32, #tpu.memory_space<hbm>> -> memref<64x256xf32, #tpu.memory_space<hbm>>
    %dma_wait3A_1338 = arith.constant 0 : i32
    %dma_wait3A_1339 = arith.constant 0 : i32
    %dma_wait3A_1340 = tpu.memref_slice %arg4[%arg1, %dma_wait3A_1331, %dma_wait3A_1338, %dma_wait3A_1339] : memref<16x3x64x256xf32, #tpu.memory_space<vmem_shared>> -> memref<1x1x64x256xf32, #tpu.memory_space<vmem_shared>>
    %dma_wait3A_1341 = tpu.memref_squeeze %dma_wait3A_1340 : memref<1x1x64x256xf32, #tpu.memory_space<vmem_shared>> -> memref<64x256xf32, #tpu.memory_space<vmem_shared>>
    tpu.wait_dma2 semaphore(%dma_wait3A_1334 : memref<!tpu.dma_semaphore, #tpu.memory_space<semaphore_mem>>) src(%dma_wait3A_1341 : memref<64x256xf32, #tpu.memory_space<vmem_shared>>) dst(%dma_wait3A_1337 : memref<64x256xf32, #tpu.memory_space<hbm>>)
    %mul3A_1342 = arith.constant 3 : i32
    %mul3A_1343 = arith.muli %add3A, %mul3A_1342 : i32
    %add3A_1344 = arith.constant 2 : i32
    %add3A_1345 = arith.addi %mul3A_1343, %add3A_1344 : i32
    %jit3A_1346 = arith.constant 4 : i32
    %div3A_1347 = arith.divsi %add3A_1345, %jit3A_1346 : i32
    %sign3A_1348 = arith.constant 0 : i32
    %sign3A_1349 = arith.cmpi sgt, %add3A_1345, %sign3A_1348 : i32
    %sign3A_1350 = arith.extui %sign3A_1349 : i1 to i32
    %sign3A_1351 = arith.constant 0 : i32
    %sign3A_1352 = arith.cmpi slt, %add3A_1345, %sign3A_1351 : i32
    %sign3A_1353 = arith.extui %sign3A_1352 : i1 to i32
    %sign3A_1354 = arith.subi %sign3A_1350, %sign3A_1353 : i32
    %sign3A_1355 = arith.constant 0 : i32
    %sign3A_1356 = arith.cmpi sgt, %jit3A_1346, %sign3A_1355 : i32
    %sign3A_1357 = arith.extui %sign3A_1356 : i1 to i32
    %sign3A_1358 = arith.constant 0 : i32
    %sign3A_1359 = arith.cmpi slt, %jit3A_1346, %sign3A_1358 : i32
    %sign3A_1360 = arith.extui %sign3A_1359 : i1 to i32
    %sign3A_1361 = arith.subi %sign3A_1357, %sign3A_1360 : i32
    %ne3A_1362 = arith.cmpi ne, %sign3A_1354, %sign3A_1361 : i32
    %rem3A_1363 = arith.remsi %add3A_1345, %jit3A_1346 : i32
    %ne3A_1364 = arith.constant 0 : i32
    %ne3A_1365 = arith.cmpi ne, %rem3A_1363, %ne3A_1364 : i32
    %and3A_1366 = arith.andi %ne3A_1362, %ne3A_1365 : i1
    %sub3A_1367 = arith.constant 1 : i32
    %sub3A_1368 = arith.subi %div3A_1347, %sub3A_1367 : i32
    %select_n3A_1369 = arith.select %and3A_1366, %sub3A_1368, %div3A_1347 : i32
    %jit3A_1370 = arith.constant 4 : i32
    %eq3A_1371 = arith.constant 0 : i32
    %eq3A_1372 = arith.cmpi eq, %jit3A_1370, %eq3A_1371 : i32
    %jit3A_1373 = arith.constant 1 : i32
    %select_n3A_1374 = arith.select %eq3A_1372, %jit3A_1373, %jit3A_1370 : i32
    %rem3A_1375 = arith.remsi %add3A_1345, %select_n3A_1374 : i32
    %ne3A_1376 = arith.constant 0 : i32
    %ne3A_1377 = arith.cmpi ne, %rem3A_1375, %ne3A_1376 : i32
    %lt3A_1378 = arith.constant 0 : i32
    %lt3A_1379 = arith.cmpi slt, %rem3A_1375, %lt3A_1378 : i32
    %lt3A_1380 = arith.constant 0 : i32
    %lt3A_1381 = arith.cmpi slt, %select_n3A_1374, %lt3A_1380 : i32
    %ne3A_1382 = arith.xori %lt3A_1379, %lt3A_1381 : i1
    %and3A_1383 = arith.andi %ne3A_1382, %ne3A_1377 : i1
    %add3A_1384 = arith.addi %rem3A_1375, %select_n3A_1374 : i32
    %select_n3A_1385 = arith.select %and3A_1383, %add3A_1384, %rem3A_1375 : i32
    %jit3A_1386 = arith.constant 8 : i32
    %eq3A_1387 = arith.constant 0 : i32
    %eq3A_1388 = arith.cmpi eq, %jit3A_1386, %eq3A_1387 : i32
    %jit3A_1389 = arith.constant 1 : i32
    %select_n3A_1390 = arith.select %eq3A_1388, %jit3A_1389, %jit3A_1386 : i32
    %rem3A_1391 = arith.remsi %select_n3A_1369, %select_n3A_1390 : i32
    %ne3A_1392 = arith.constant 0 : i32
    %ne3A_1393 = arith.cmpi ne, %rem3A_1391, %ne3A_1392 : i32
    %lt3A_1394 = arith.constant 0 : i32
    %lt3A_1395 = arith.cmpi slt, %rem3A_1391, %lt3A_1394 : i32
    %lt3A_1396 = arith.constant 0 : i32
    %lt3A_1397 = arith.cmpi slt, %select_n3A_1390, %lt3A_1396 : i32
    %ne3A_1398 = arith.xori %lt3A_1395, %lt3A_1397 : i1
    %and3A_1399 = arith.andi %ne3A_1398, %ne3A_1393 : i1
    %add3A_1400 = arith.addi %rem3A_1391, %select_n3A_1390 : i32
    %select_n3A_1401 = arith.select %and3A_1399, %add3A_1400, %rem3A_1391 : i32
    %jit3A_1402 = arith.constant 8 : i32
    %div3A_1403 = arith.divsi %select_n3A_1369, %jit3A_1402 : i32
    %sign3A_1404 = arith.constant 0 : i32
    %sign3A_1405 = arith.cmpi sgt, %select_n3A_1369, %sign3A_1404 : i32
    %sign3A_1406 = arith.extui %sign3A_1405 : i1 to i32
    %sign3A_1407 = arith.constant 0 : i32
    %sign3A_1408 = arith.cmpi slt, %select_n3A_1369, %sign3A_1407 : i32
    %sign3A_1409 = arith.extui %sign3A_1408 : i1 to i32
    %sign3A_1410 = arith.subi %sign3A_1406, %sign3A_1409 : i32
    %sign3A_1411 = arith.constant 0 : i32
    %sign3A_1412 = arith.cmpi sgt, %jit3A_1402, %sign3A_1411 : i32
    %sign3A_1413 = arith.extui %sign3A_1412 : i1 to i32
    %sign3A_1414 = arith.constant 0 : i32
    %sign3A_1415 = arith.cmpi slt, %jit3A_1402, %sign3A_1414 : i32
    %sign3A_1416 = arith.extui %sign3A_1415 : i1 to i32
    %sign3A_1417 = arith.subi %sign3A_1413, %sign3A_1416 : i32
    %ne3A_1418 = arith.cmpi ne, %sign3A_1410, %sign3A_1417 : i32
    %rem3A_1419 = arith.remsi %select_n3A_1369, %jit3A_1402 : i32
    %ne3A_1420 = arith.constant 0 : i32
    %ne3A_1421 = arith.cmpi ne, %rem3A_1419, %ne3A_1420 : i32
    %and3A_1422 = arith.andi %ne3A_1418, %ne3A_1421 : i1
    %sub3A_1423 = arith.constant 1 : i32
    %sub3A_1424 = arith.subi %div3A_1403, %sub3A_1423 : i32
    %select_n3A_1425 = arith.select %and3A_1422, %sub3A_1424, %div3A_1403 : i32
    %mul3A_1426 = arith.constant 31 : i32
    %mul3A_1427 = arith.muli %select_n3A_1401, %mul3A_1426 : i32
    %jit3A_1428 = arith.constant 7 : i32
    %div3A_1429 = arith.divsi %mul3A_1427, %jit3A_1428 : i32
    %sign3A_1430 = arith.constant 0 : i32
    %sign3A_1431 = arith.cmpi sgt, %mul3A_1427, %sign3A_1430 : i32
    %sign3A_1432 = arith.extui %sign3A_1431 : i1 to i32
    %sign3A_1433 = arith.constant 0 : i32
    %sign3A_1434 = arith.cmpi slt, %mul3A_1427, %sign3A_1433 : i32
    %sign3A_1435 = arith.extui %sign3A_1434 : i1 to i32
    %sign3A_1436 = arith.subi %sign3A_1432, %sign3A_1435 : i32
    %sign3A_1437 = arith.constant 0 : i32
    %sign3A_1438 = arith.cmpi sgt, %jit3A_1428, %sign3A_1437 : i32
    %sign3A_1439 = arith.extui %sign3A_1438 : i1 to i32
    %sign3A_1440 = arith.constant 0 : i32
    %sign3A_1441 = arith.cmpi slt, %jit3A_1428, %sign3A_1440 : i32
    %sign3A_1442 = arith.extui %sign3A_1441 : i1 to i32
    %sign3A_1443 = arith.subi %sign3A_1439, %sign3A_1442 : i32
    %ne3A_1444 = arith.cmpi ne, %sign3A_1436, %sign3A_1443 : i32
    %rem3A_1445 = arith.remsi %mul3A_1427, %jit3A_1428 : i32
    %ne3A_1446 = arith.constant 0 : i32
    %ne3A_1447 = arith.cmpi ne, %rem3A_1445, %ne3A_1446 : i32
    %and3A_1448 = arith.andi %ne3A_1444, %ne3A_1447 : i1
    %sub3A_1449 = arith.constant 1 : i32
    %sub3A_1450 = arith.subi %div3A_1429, %sub3A_1449 : i32
    %select_n3A_1451 = arith.select %and3A_1448, %sub3A_1450, %div3A_1429 : i32
    %mul3A_1452 = arith.constant 64 : i32
    %mul3A_1453 = arith.muli %select_n3A_1385, %mul3A_1452 : i32
    %dma_wait3A_1454 = arith.constant 2 : i32
    %dma_wait3A_1455 = arith.constant 2 : i32
    %dma_wait3A_1456 = tpu.memref_slice %arg6[%dma_wait3A_1455] : memref<3x!tpu.dma_semaphore, #tpu.memory_space<semaphore_mem>> -> memref<1x!tpu.dma_semaphore, #tpu.memory_space<semaphore_mem>>
    %dma_wait3A_1457 = tpu.memref_squeeze %dma_wait3A_1456 : memref<1x!tpu.dma_semaphore, #tpu.memory_space<semaphore_mem>> -> memref<!tpu.dma_semaphore, #tpu.memory_space<semaphore_mem>>
    %dma_wait3A_1458 = arith.constant 0 : i32
    %dma_wait3A_1459 = tpu.memref_slice %arg3[%select_n3A_1425, %select_n3A_1401, %mul3A_1453, %dma_wait3A_1458] : memref<3x8x256x256xf32, #tpu.memory_space<hbm>> -> memref<1x1x64x256xf32, #tpu.memory_space<hbm>>
    %dma_wait3A_1460 = tpu.memref_squeeze %dma_wait3A_1459 : memref<1x1x64x256xf32, #tpu.memory_space<hbm>> -> memref<64x256xf32, #tpu.memory_space<hbm>>
    %dma_wait3A_1461 = arith.constant 0 : i32
    %dma_wait3A_1462 = arith.constant 0 : i32
    %dma_wait3A_1463 = tpu.memref_slice %arg4[%arg1, %dma_wait3A_1454, %dma_wait3A_1461, %dma_wait3A_1462] : memref<16x3x64x256xf32, #tpu.memory_space<vmem_shared>> -> memref<1x1x64x256xf32, #tpu.memory_space<vmem_shared>>
    %dma_wait3A_1464 = tpu.memref_squeeze %dma_wait3A_1463 : memref<1x1x64x256xf32, #tpu.memory_space<vmem_shared>> -> memref<64x256xf32, #tpu.memory_space<vmem_shared>>
    tpu.wait_dma2 semaphore(%dma_wait3A_1457 : memref<!tpu.dma_semaphore, #tpu.memory_space<semaphore_mem>>) src(%dma_wait3A_1464 : memref<64x256xf32, #tpu.memory_space<vmem_shared>>) dst(%dma_wait3A_1460 : memref<64x256xf32, #tpu.memory_space<hbm>>)
    return
  }
}

module attributes {stable_mosaic.version = 14 : i64} {
  func.func @_body(%arg0: memref<3x32x256x256xf32, #tpu.memory_space<hbm>>, %arg1: memref<3x32x256x256xf32, #tpu.memory_space<hbm>>, %arg2: memref<8x3x4x256x256xf32, #tpu.memory_space<vmem>>, %arg3: memref<8x!tpu.dma_semaphore, #tpu.memory_space<semaphore_mem>>, %arg4: memref<8x!tpu.dma_semaphore, #tpu.memory_space<semaphore_mem>>) attributes {dimension_semantics = [], scalar_prefetch = 0 : i64, scratch_operands = 3 : i64, tpu.core_type = #tpu.core_type<tc>} {
    %dma_start3A = arith.constant 0 : i32
    %dma_start3A_0 = arith.constant 0 : i32
    %dma_start3A_1 = tpu.memref_slice %arg3[%dma_start3A_0] : memref<8x!tpu.dma_semaphore, #tpu.memory_space<semaphore_mem>> -> memref<1x!tpu.dma_semaphore, #tpu.memory_space<semaphore_mem>>
    %dma_start3A_2 = tpu.memref_squeeze %dma_start3A_1 : memref<1x!tpu.dma_semaphore, #tpu.memory_space<semaphore_mem>> -> memref<!tpu.dma_semaphore, #tpu.memory_space<semaphore_mem>>
    %dma_start3A_3 = arith.constant 0 : i32
    %dma_start3A_4 = arith.constant 0 : i32
    %dma_start3A_5 = arith.constant 0 : i32
    %dma_start3A_6 = arith.constant 0 : i32
    %dma_start3A_7 = tpu.memref_slice %arg2[%dma_start3A, %dma_start3A_3, %dma_start3A_4, %dma_start3A_5, %dma_start3A_6] : memref<8x3x4x256x256xf32, #tpu.memory_space<vmem>> -> memref<1x3x4x256x256xf32, #tpu.memory_space<vmem>>
    %dma_start3A_8 = tpu.memref_squeeze %dma_start3A_7 : memref<1x3x4x256x256xf32, #tpu.memory_space<vmem>> -> memref<3x4x256x256xf32, #tpu.memory_space<vmem>>
    %dma_start3A_9 = arith.constant 0 : i32
    %dma_start3A_10 = arith.constant 0 : i32
    %dma_start3A_11 = arith.constant 0 : i32
    %dma_start3A_12 = arith.constant 0 : i32
    %dma_start3A_13 = tpu.memref_slice %arg0[%dma_start3A_9, %dma_start3A_10, %dma_start3A_11, %dma_start3A_12] : memref<3x32x256x256xf32, #tpu.memory_space<hbm>> -> memref<3x4x256x256xf32, #tpu.memory_space<hbm>>
    tpu.enqueue_dma source(%dma_start3A_13 : memref<3x4x256x256xf32, #tpu.memory_space<hbm>>) target(%dma_start3A_8 : memref<3x4x256x256xf32, #tpu.memory_space<vmem>>) target_semaphore(%dma_start3A_2 : memref<!tpu.dma_semaphore, #tpu.memory_space<semaphore_mem>>)
    %dma_start3A_14 = arith.constant 1 : i32
    %dma_start3A_15 = arith.constant 1 : i32
    %dma_start3A_16 = tpu.memref_slice %arg3[%dma_start3A_15] : memref<8x!tpu.dma_semaphore, #tpu.memory_space<semaphore_mem>> -> memref<1x!tpu.dma_semaphore, #tpu.memory_space<semaphore_mem>>
    %dma_start3A_17 = tpu.memref_squeeze %dma_start3A_16 : memref<1x!tpu.dma_semaphore, #tpu.memory_space<semaphore_mem>> -> memref<!tpu.dma_semaphore, #tpu.memory_space<semaphore_mem>>
    %dma_start3A_18 = arith.constant 0 : i32
    %dma_start3A_19 = arith.constant 0 : i32
    %dma_start3A_20 = arith.constant 0 : i32
    %dma_start3A_21 = arith.constant 0 : i32
    %dma_start3A_22 = tpu.memref_slice %arg2[%dma_start3A_14, %dma_start3A_18, %dma_start3A_19, %dma_start3A_20, %dma_start3A_21] : memref<8x3x4x256x256xf32, #tpu.memory_space<vmem>> -> memref<1x3x4x256x256xf32, #tpu.memory_space<vmem>>
    %dma_start3A_23 = tpu.memref_squeeze %dma_start3A_22 : memref<1x3x4x256x256xf32, #tpu.memory_space<vmem>> -> memref<3x4x256x256xf32, #tpu.memory_space<vmem>>
    %dma_start3A_24 = arith.constant 0 : i32
    %dma_start3A_25 = arith.constant 4 : i32
    %dma_start3A_26 = arith.constant 0 : i32
    %dma_start3A_27 = arith.constant 0 : i32
    %dma_start3A_28 = tpu.memref_slice %arg0[%dma_start3A_24, %dma_start3A_25, %dma_start3A_26, %dma_start3A_27] : memref<3x32x256x256xf32, #tpu.memory_space<hbm>> -> memref<3x4x256x256xf32, #tpu.memory_space<hbm>>
    tpu.enqueue_dma source(%dma_start3A_28 : memref<3x4x256x256xf32, #tpu.memory_space<hbm>>) target(%dma_start3A_23 : memref<3x4x256x256xf32, #tpu.memory_space<vmem>>) target_semaphore(%dma_start3A_17 : memref<!tpu.dma_semaphore, #tpu.memory_space<semaphore_mem>>)
    %dma_start3A_29 = arith.constant 2 : i32
    %dma_start3A_30 = arith.constant 2 : i32
    %dma_start3A_31 = tpu.memref_slice %arg3[%dma_start3A_30] : memref<8x!tpu.dma_semaphore, #tpu.memory_space<semaphore_mem>> -> memref<1x!tpu.dma_semaphore, #tpu.memory_space<semaphore_mem>>
    %dma_start3A_32 = tpu.memref_squeeze %dma_start3A_31 : memref<1x!tpu.dma_semaphore, #tpu.memory_space<semaphore_mem>> -> memref<!tpu.dma_semaphore, #tpu.memory_space<semaphore_mem>>
    %dma_start3A_33 = arith.constant 0 : i32
    %dma_start3A_34 = arith.constant 0 : i32
    %dma_start3A_35 = arith.constant 0 : i32
    %dma_start3A_36 = arith.constant 0 : i32
    %dma_start3A_37 = tpu.memref_slice %arg2[%dma_start3A_29, %dma_start3A_33, %dma_start3A_34, %dma_start3A_35, %dma_start3A_36] : memref<8x3x4x256x256xf32, #tpu.memory_space<vmem>> -> memref<1x3x4x256x256xf32, #tpu.memory_space<vmem>>
    %dma_start3A_38 = tpu.memref_squeeze %dma_start3A_37 : memref<1x3x4x256x256xf32, #tpu.memory_space<vmem>> -> memref<3x4x256x256xf32, #tpu.memory_space<vmem>>
    %dma_start3A_39 = arith.constant 0 : i32
    %dma_start3A_40 = arith.constant 8 : i32
    %dma_start3A_41 = arith.constant 0 : i32
    %dma_start3A_42 = arith.constant 0 : i32
    %dma_start3A_43 = tpu.memref_slice %arg0[%dma_start3A_39, %dma_start3A_40, %dma_start3A_41, %dma_start3A_42] : memref<3x32x256x256xf32, #tpu.memory_space<hbm>> -> memref<3x4x256x256xf32, #tpu.memory_space<hbm>>
    tpu.enqueue_dma source(%dma_start3A_43 : memref<3x4x256x256xf32, #tpu.memory_space<hbm>>) target(%dma_start3A_38 : memref<3x4x256x256xf32, #tpu.memory_space<vmem>>) target_semaphore(%dma_start3A_32 : memref<!tpu.dma_semaphore, #tpu.memory_space<semaphore_mem>>)
    %dma_start3A_44 = arith.constant 3 : i32
    %dma_start3A_45 = arith.constant 3 : i32
    %dma_start3A_46 = tpu.memref_slice %arg3[%dma_start3A_45] : memref<8x!tpu.dma_semaphore, #tpu.memory_space<semaphore_mem>> -> memref<1x!tpu.dma_semaphore, #tpu.memory_space<semaphore_mem>>
    %dma_start3A_47 = tpu.memref_squeeze %dma_start3A_46 : memref<1x!tpu.dma_semaphore, #tpu.memory_space<semaphore_mem>> -> memref<!tpu.dma_semaphore, #tpu.memory_space<semaphore_mem>>
    %dma_start3A_48 = arith.constant 0 : i32
    %dma_start3A_49 = arith.constant 0 : i32
    %dma_start3A_50 = arith.constant 0 : i32
    %dma_start3A_51 = arith.constant 0 : i32
    %dma_start3A_52 = tpu.memref_slice %arg2[%dma_start3A_44, %dma_start3A_48, %dma_start3A_49, %dma_start3A_50, %dma_start3A_51] : memref<8x3x4x256x256xf32, #tpu.memory_space<vmem>> -> memref<1x3x4x256x256xf32, #tpu.memory_space<vmem>>
    %dma_start3A_53 = tpu.memref_squeeze %dma_start3A_52 : memref<1x3x4x256x256xf32, #tpu.memory_space<vmem>> -> memref<3x4x256x256xf32, #tpu.memory_space<vmem>>
    %dma_start3A_54 = arith.constant 0 : i32
    %dma_start3A_55 = arith.constant 12 : i32
    %dma_start3A_56 = arith.constant 0 : i32
    %dma_start3A_57 = arith.constant 0 : i32
    %dma_start3A_58 = tpu.memref_slice %arg0[%dma_start3A_54, %dma_start3A_55, %dma_start3A_56, %dma_start3A_57] : memref<3x32x256x256xf32, #tpu.memory_space<hbm>> -> memref<3x4x256x256xf32, #tpu.memory_space<hbm>>
    tpu.enqueue_dma source(%dma_start3A_58 : memref<3x4x256x256xf32, #tpu.memory_space<hbm>>) target(%dma_start3A_53 : memref<3x4x256x256xf32, #tpu.memory_space<vmem>>) target_semaphore(%dma_start3A_47 : memref<!tpu.dma_semaphore, #tpu.memory_space<semaphore_mem>>)
    %dma_start3A_59 = arith.constant 4 : i32
    %dma_start3A_60 = arith.constant 4 : i32
    %dma_start3A_61 = tpu.memref_slice %arg3[%dma_start3A_60] : memref<8x!tpu.dma_semaphore, #tpu.memory_space<semaphore_mem>> -> memref<1x!tpu.dma_semaphore, #tpu.memory_space<semaphore_mem>>
    %dma_start3A_62 = tpu.memref_squeeze %dma_start3A_61 : memref<1x!tpu.dma_semaphore, #tpu.memory_space<semaphore_mem>> -> memref<!tpu.dma_semaphore, #tpu.memory_space<semaphore_mem>>
    %dma_start3A_63 = arith.constant 0 : i32
    %dma_start3A_64 = arith.constant 0 : i32
    %dma_start3A_65 = arith.constant 0 : i32
    %dma_start3A_66 = arith.constant 0 : i32
    %dma_start3A_67 = tpu.memref_slice %arg2[%dma_start3A_59, %dma_start3A_63, %dma_start3A_64, %dma_start3A_65, %dma_start3A_66] : memref<8x3x4x256x256xf32, #tpu.memory_space<vmem>> -> memref<1x3x4x256x256xf32, #tpu.memory_space<vmem>>
    %dma_start3A_68 = tpu.memref_squeeze %dma_start3A_67 : memref<1x3x4x256x256xf32, #tpu.memory_space<vmem>> -> memref<3x4x256x256xf32, #tpu.memory_space<vmem>>
    %dma_start3A_69 = arith.constant 0 : i32
    %dma_start3A_70 = arith.constant 16 : i32
    %dma_start3A_71 = arith.constant 0 : i32
    %dma_start3A_72 = arith.constant 0 : i32
    %dma_start3A_73 = tpu.memref_slice %arg0[%dma_start3A_69, %dma_start3A_70, %dma_start3A_71, %dma_start3A_72] : memref<3x32x256x256xf32, #tpu.memory_space<hbm>> -> memref<3x4x256x256xf32, #tpu.memory_space<hbm>>
    tpu.enqueue_dma source(%dma_start3A_73 : memref<3x4x256x256xf32, #tpu.memory_space<hbm>>) target(%dma_start3A_68 : memref<3x4x256x256xf32, #tpu.memory_space<vmem>>) target_semaphore(%dma_start3A_62 : memref<!tpu.dma_semaphore, #tpu.memory_space<semaphore_mem>>)
    %dma_start3A_74 = arith.constant 5 : i32
    %dma_start3A_75 = arith.constant 5 : i32
    %dma_start3A_76 = tpu.memref_slice %arg3[%dma_start3A_75] : memref<8x!tpu.dma_semaphore, #tpu.memory_space<semaphore_mem>> -> memref<1x!tpu.dma_semaphore, #tpu.memory_space<semaphore_mem>>
    %dma_start3A_77 = tpu.memref_squeeze %dma_start3A_76 : memref<1x!tpu.dma_semaphore, #tpu.memory_space<semaphore_mem>> -> memref<!tpu.dma_semaphore, #tpu.memory_space<semaphore_mem>>
    %dma_start3A_78 = arith.constant 0 : i32
    %dma_start3A_79 = arith.constant 0 : i32
    %dma_start3A_80 = arith.constant 0 : i32
    %dma_start3A_81 = arith.constant 0 : i32
    %dma_start3A_82 = tpu.memref_slice %arg2[%dma_start3A_74, %dma_start3A_78, %dma_start3A_79, %dma_start3A_80, %dma_start3A_81] : memref<8x3x4x256x256xf32, #tpu.memory_space<vmem>> -> memref<1x3x4x256x256xf32, #tpu.memory_space<vmem>>
    %dma_start3A_83 = tpu.memref_squeeze %dma_start3A_82 : memref<1x3x4x256x256xf32, #tpu.memory_space<vmem>> -> memref<3x4x256x256xf32, #tpu.memory_space<vmem>>
    %dma_start3A_84 = arith.constant 0 : i32
    %dma_start3A_85 = arith.constant 20 : i32
    %dma_start3A_86 = arith.constant 0 : i32
    %dma_start3A_87 = arith.constant 0 : i32
    %dma_start3A_88 = tpu.memref_slice %arg0[%dma_start3A_84, %dma_start3A_85, %dma_start3A_86, %dma_start3A_87] : memref<3x32x256x256xf32, #tpu.memory_space<hbm>> -> memref<3x4x256x256xf32, #tpu.memory_space<hbm>>
    tpu.enqueue_dma source(%dma_start3A_88 : memref<3x4x256x256xf32, #tpu.memory_space<hbm>>) target(%dma_start3A_83 : memref<3x4x256x256xf32, #tpu.memory_space<vmem>>) target_semaphore(%dma_start3A_77 : memref<!tpu.dma_semaphore, #tpu.memory_space<semaphore_mem>>)
    %dma_start3A_89 = arith.constant 6 : i32
    %dma_start3A_90 = arith.constant 6 : i32
    %dma_start3A_91 = tpu.memref_slice %arg3[%dma_start3A_90] : memref<8x!tpu.dma_semaphore, #tpu.memory_space<semaphore_mem>> -> memref<1x!tpu.dma_semaphore, #tpu.memory_space<semaphore_mem>>
    %dma_start3A_92 = tpu.memref_squeeze %dma_start3A_91 : memref<1x!tpu.dma_semaphore, #tpu.memory_space<semaphore_mem>> -> memref<!tpu.dma_semaphore, #tpu.memory_space<semaphore_mem>>
    %dma_start3A_93 = arith.constant 0 : i32
    %dma_start3A_94 = arith.constant 0 : i32
    %dma_start3A_95 = arith.constant 0 : i32
    %dma_start3A_96 = arith.constant 0 : i32
    %dma_start3A_97 = tpu.memref_slice %arg2[%dma_start3A_89, %dma_start3A_93, %dma_start3A_94, %dma_start3A_95, %dma_start3A_96] : memref<8x3x4x256x256xf32, #tpu.memory_space<vmem>> -> memref<1x3x4x256x256xf32, #tpu.memory_space<vmem>>
    %dma_start3A_98 = tpu.memref_squeeze %dma_start3A_97 : memref<1x3x4x256x256xf32, #tpu.memory_space<vmem>> -> memref<3x4x256x256xf32, #tpu.memory_space<vmem>>
    %dma_start3A_99 = arith.constant 0 : i32
    %dma_start3A_100 = arith.constant 24 : i32
    %dma_start3A_101 = arith.constant 0 : i32
    %dma_start3A_102 = arith.constant 0 : i32
    %dma_start3A_103 = tpu.memref_slice %arg0[%dma_start3A_99, %dma_start3A_100, %dma_start3A_101, %dma_start3A_102] : memref<3x32x256x256xf32, #tpu.memory_space<hbm>> -> memref<3x4x256x256xf32, #tpu.memory_space<hbm>>
    tpu.enqueue_dma source(%dma_start3A_103 : memref<3x4x256x256xf32, #tpu.memory_space<hbm>>) target(%dma_start3A_98 : memref<3x4x256x256xf32, #tpu.memory_space<vmem>>) target_semaphore(%dma_start3A_92 : memref<!tpu.dma_semaphore, #tpu.memory_space<semaphore_mem>>)
    %dma_start3A_104 = arith.constant 7 : i32
    %dma_start3A_105 = arith.constant 7 : i32
    %dma_start3A_106 = tpu.memref_slice %arg3[%dma_start3A_105] : memref<8x!tpu.dma_semaphore, #tpu.memory_space<semaphore_mem>> -> memref<1x!tpu.dma_semaphore, #tpu.memory_space<semaphore_mem>>
    %dma_start3A_107 = tpu.memref_squeeze %dma_start3A_106 : memref<1x!tpu.dma_semaphore, #tpu.memory_space<semaphore_mem>> -> memref<!tpu.dma_semaphore, #tpu.memory_space<semaphore_mem>>
    %dma_start3A_108 = arith.constant 0 : i32
    %dma_start3A_109 = arith.constant 0 : i32
    %dma_start3A_110 = arith.constant 0 : i32
    %dma_start3A_111 = arith.constant 0 : i32
    %dma_start3A_112 = tpu.memref_slice %arg2[%dma_start3A_104, %dma_start3A_108, %dma_start3A_109, %dma_start3A_110, %dma_start3A_111] : memref<8x3x4x256x256xf32, #tpu.memory_space<vmem>> -> memref<1x3x4x256x256xf32, #tpu.memory_space<vmem>>
    %dma_start3A_113 = tpu.memref_squeeze %dma_start3A_112 : memref<1x3x4x256x256xf32, #tpu.memory_space<vmem>> -> memref<3x4x256x256xf32, #tpu.memory_space<vmem>>
    %dma_start3A_114 = arith.constant 0 : i32
    %dma_start3A_115 = arith.constant 28 : i32
    %dma_start3A_116 = arith.constant 0 : i32
    %dma_start3A_117 = arith.constant 0 : i32
    %dma_start3A_118 = tpu.memref_slice %arg0[%dma_start3A_114, %dma_start3A_115, %dma_start3A_116, %dma_start3A_117] : memref<3x32x256x256xf32, #tpu.memory_space<hbm>> -> memref<3x4x256x256xf32, #tpu.memory_space<hbm>>
    tpu.enqueue_dma source(%dma_start3A_118 : memref<3x4x256x256xf32, #tpu.memory_space<hbm>>) target(%dma_start3A_113 : memref<3x4x256x256xf32, #tpu.memory_space<vmem>>) target_semaphore(%dma_start3A_107 : memref<!tpu.dma_semaphore, #tpu.memory_space<semaphore_mem>>)
    %dma_wait3A = arith.constant 0 : i32
    %dma_wait3A_119 = arith.constant 0 : i32
    %dma_wait3A_120 = tpu.memref_slice %arg3[%dma_wait3A_119] : memref<8x!tpu.dma_semaphore, #tpu.memory_space<semaphore_mem>> -> memref<1x!tpu.dma_semaphore, #tpu.memory_space<semaphore_mem>>
    %dma_wait3A_121 = tpu.memref_squeeze %dma_wait3A_120 : memref<1x!tpu.dma_semaphore, #tpu.memory_space<semaphore_mem>> -> memref<!tpu.dma_semaphore, #tpu.memory_space<semaphore_mem>>
    %dma_wait3A_122 = arith.constant 0 : i32
    %dma_wait3A_123 = arith.constant 0 : i32
    %dma_wait3A_124 = arith.constant 0 : i32
    %dma_wait3A_125 = arith.constant 0 : i32
    %dma_wait3A_126 = tpu.memref_slice %arg2[%dma_wait3A, %dma_wait3A_122, %dma_wait3A_123, %dma_wait3A_124, %dma_wait3A_125] : memref<8x3x4x256x256xf32, #tpu.memory_space<vmem>> -> memref<1x3x4x256x256xf32, #tpu.memory_space<vmem>>
    %dma_wait3A_127 = tpu.memref_squeeze %dma_wait3A_126 : memref<1x3x4x256x256xf32, #tpu.memory_space<vmem>> -> memref<3x4x256x256xf32, #tpu.memory_space<vmem>>
    %dma_wait3A_128 = arith.constant 0 : i32
    %dma_wait3A_129 = arith.constant 0 : i32
    %dma_wait3A_130 = arith.constant 0 : i32
    %dma_wait3A_131 = arith.constant 0 : i32
    %dma_wait3A_132 = tpu.memref_slice %arg0[%dma_wait3A_128, %dma_wait3A_129, %dma_wait3A_130, %dma_wait3A_131] : memref<3x32x256x256xf32, #tpu.memory_space<hbm>> -> memref<3x4x256x256xf32, #tpu.memory_space<hbm>>
    tpu.wait_dma2 semaphore(%dma_wait3A_121 : memref<!tpu.dma_semaphore, #tpu.memory_space<semaphore_mem>>) src(%dma_wait3A_132 : memref<3x4x256x256xf32, #tpu.memory_space<hbm>>) dst(%dma_wait3A_127 : memref<3x4x256x256xf32, #tpu.memory_space<vmem>>)
    %dma_start3A_133 = arith.constant 0 : i32
    %dma_start3A_134 = arith.constant 0 : i32
    %dma_start3A_135 = tpu.memref_slice %arg4[%dma_start3A_134] : memref<8x!tpu.dma_semaphore, #tpu.memory_space<semaphore_mem>> -> memref<1x!tpu.dma_semaphore, #tpu.memory_space<semaphore_mem>>
    %dma_start3A_136 = tpu.memref_squeeze %dma_start3A_135 : memref<1x!tpu.dma_semaphore, #tpu.memory_space<semaphore_mem>> -> memref<!tpu.dma_semaphore, #tpu.memory_space<semaphore_mem>>
    %dma_start3A_137 = arith.constant 0 : i32
    %dma_start3A_138 = arith.constant 0 : i32
    %dma_start3A_139 = arith.constant 0 : i32
    %dma_start3A_140 = arith.constant 0 : i32
    %dma_start3A_141 = tpu.memref_slice %arg1[%dma_start3A_137, %dma_start3A_138, %dma_start3A_139, %dma_start3A_140] : memref<3x32x256x256xf32, #tpu.memory_space<hbm>> -> memref<3x4x256x256xf32, #tpu.memory_space<hbm>>
    %dma_start3A_142 = arith.constant 0 : i32
    %dma_start3A_143 = arith.constant 0 : i32
    %dma_start3A_144 = arith.constant 0 : i32
    %dma_start3A_145 = arith.constant 0 : i32
    %dma_start3A_146 = tpu.memref_slice %arg2[%dma_start3A_133, %dma_start3A_142, %dma_start3A_143, %dma_start3A_144, %dma_start3A_145] : memref<8x3x4x256x256xf32, #tpu.memory_space<vmem>> -> memref<1x3x4x256x256xf32, #tpu.memory_space<vmem>>
    %dma_start3A_147 = tpu.memref_squeeze %dma_start3A_146 : memref<1x3x4x256x256xf32, #tpu.memory_space<vmem>> -> memref<3x4x256x256xf32, #tpu.memory_space<vmem>>
    tpu.enqueue_dma source(%dma_start3A_147 : memref<3x4x256x256xf32, #tpu.memory_space<vmem>>) target(%dma_start3A_141 : memref<3x4x256x256xf32, #tpu.memory_space<hbm>>) target_semaphore(%dma_start3A_136 : memref<!tpu.dma_semaphore, #tpu.memory_space<semaphore_mem>>)
    %dma_wait3A_148 = arith.constant 1 : i32
    %dma_wait3A_149 = arith.constant 1 : i32
    %dma_wait3A_150 = tpu.memref_slice %arg3[%dma_wait3A_149] : memref<8x!tpu.dma_semaphore, #tpu.memory_space<semaphore_mem>> -> memref<1x!tpu.dma_semaphore, #tpu.memory_space<semaphore_mem>>
    %dma_wait3A_151 = tpu.memref_squeeze %dma_wait3A_150 : memref<1x!tpu.dma_semaphore, #tpu.memory_space<semaphore_mem>> -> memref<!tpu.dma_semaphore, #tpu.memory_space<semaphore_mem>>
    %dma_wait3A_152 = arith.constant 0 : i32
    %dma_wait3A_153 = arith.constant 0 : i32
    %dma_wait3A_154 = arith.constant 0 : i32
    %dma_wait3A_155 = arith.constant 0 : i32
    %dma_wait3A_156 = tpu.memref_slice %arg2[%dma_wait3A_148, %dma_wait3A_152, %dma_wait3A_153, %dma_wait3A_154, %dma_wait3A_155] : memref<8x3x4x256x256xf32, #tpu.memory_space<vmem>> -> memref<1x3x4x256x256xf32, #tpu.memory_space<vmem>>
    %dma_wait3A_157 = tpu.memref_squeeze %dma_wait3A_156 : memref<1x3x4x256x256xf32, #tpu.memory_space<vmem>> -> memref<3x4x256x256xf32, #tpu.memory_space<vmem>>
    %dma_wait3A_158 = arith.constant 0 : i32
    %dma_wait3A_159 = arith.constant 4 : i32
    %dma_wait3A_160 = arith.constant 0 : i32
    %dma_wait3A_161 = arith.constant 0 : i32
    %dma_wait3A_162 = tpu.memref_slice %arg0[%dma_wait3A_158, %dma_wait3A_159, %dma_wait3A_160, %dma_wait3A_161] : memref<3x32x256x256xf32, #tpu.memory_space<hbm>> -> memref<3x4x256x256xf32, #tpu.memory_space<hbm>>
    tpu.wait_dma2 semaphore(%dma_wait3A_151 : memref<!tpu.dma_semaphore, #tpu.memory_space<semaphore_mem>>) src(%dma_wait3A_162 : memref<3x4x256x256xf32, #tpu.memory_space<hbm>>) dst(%dma_wait3A_157 : memref<3x4x256x256xf32, #tpu.memory_space<vmem>>)
    %dma_start3A_163 = arith.constant 1 : i32
    %dma_start3A_164 = arith.constant 1 : i32
    %dma_start3A_165 = tpu.memref_slice %arg4[%dma_start3A_164] : memref<8x!tpu.dma_semaphore, #tpu.memory_space<semaphore_mem>> -> memref<1x!tpu.dma_semaphore, #tpu.memory_space<semaphore_mem>>
    %dma_start3A_166 = tpu.memref_squeeze %dma_start3A_165 : memref<1x!tpu.dma_semaphore, #tpu.memory_space<semaphore_mem>> -> memref<!tpu.dma_semaphore, #tpu.memory_space<semaphore_mem>>
    %dma_start3A_167 = arith.constant 0 : i32
    %dma_start3A_168 = arith.constant 4 : i32
    %dma_start3A_169 = arith.constant 0 : i32
    %dma_start3A_170 = arith.constant 0 : i32
    %dma_start3A_171 = tpu.memref_slice %arg1[%dma_start3A_167, %dma_start3A_168, %dma_start3A_169, %dma_start3A_170] : memref<3x32x256x256xf32, #tpu.memory_space<hbm>> -> memref<3x4x256x256xf32, #tpu.memory_space<hbm>>
    %dma_start3A_172 = arith.constant 0 : i32
    %dma_start3A_173 = arith.constant 0 : i32
    %dma_start3A_174 = arith.constant 0 : i32
    %dma_start3A_175 = arith.constant 0 : i32
    %dma_start3A_176 = tpu.memref_slice %arg2[%dma_start3A_163, %dma_start3A_172, %dma_start3A_173, %dma_start3A_174, %dma_start3A_175] : memref<8x3x4x256x256xf32, #tpu.memory_space<vmem>> -> memref<1x3x4x256x256xf32, #tpu.memory_space<vmem>>
    %dma_start3A_177 = tpu.memref_squeeze %dma_start3A_176 : memref<1x3x4x256x256xf32, #tpu.memory_space<vmem>> -> memref<3x4x256x256xf32, #tpu.memory_space<vmem>>
    tpu.enqueue_dma source(%dma_start3A_177 : memref<3x4x256x256xf32, #tpu.memory_space<vmem>>) target(%dma_start3A_171 : memref<3x4x256x256xf32, #tpu.memory_space<hbm>>) target_semaphore(%dma_start3A_166 : memref<!tpu.dma_semaphore, #tpu.memory_space<semaphore_mem>>)
    %dma_wait3A_178 = arith.constant 2 : i32
    %dma_wait3A_179 = arith.constant 2 : i32
    %dma_wait3A_180 = tpu.memref_slice %arg3[%dma_wait3A_179] : memref<8x!tpu.dma_semaphore, #tpu.memory_space<semaphore_mem>> -> memref<1x!tpu.dma_semaphore, #tpu.memory_space<semaphore_mem>>
    %dma_wait3A_181 = tpu.memref_squeeze %dma_wait3A_180 : memref<1x!tpu.dma_semaphore, #tpu.memory_space<semaphore_mem>> -> memref<!tpu.dma_semaphore, #tpu.memory_space<semaphore_mem>>
    %dma_wait3A_182 = arith.constant 0 : i32
    %dma_wait3A_183 = arith.constant 0 : i32
    %dma_wait3A_184 = arith.constant 0 : i32
    %dma_wait3A_185 = arith.constant 0 : i32
    %dma_wait3A_186 = tpu.memref_slice %arg2[%dma_wait3A_178, %dma_wait3A_182, %dma_wait3A_183, %dma_wait3A_184, %dma_wait3A_185] : memref<8x3x4x256x256xf32, #tpu.memory_space<vmem>> -> memref<1x3x4x256x256xf32, #tpu.memory_space<vmem>>
    %dma_wait3A_187 = tpu.memref_squeeze %dma_wait3A_186 : memref<1x3x4x256x256xf32, #tpu.memory_space<vmem>> -> memref<3x4x256x256xf32, #tpu.memory_space<vmem>>
    %dma_wait3A_188 = arith.constant 0 : i32
    %dma_wait3A_189 = arith.constant 8 : i32
    %dma_wait3A_190 = arith.constant 0 : i32
    %dma_wait3A_191 = arith.constant 0 : i32
    %dma_wait3A_192 = tpu.memref_slice %arg0[%dma_wait3A_188, %dma_wait3A_189, %dma_wait3A_190, %dma_wait3A_191] : memref<3x32x256x256xf32, #tpu.memory_space<hbm>> -> memref<3x4x256x256xf32, #tpu.memory_space<hbm>>
    tpu.wait_dma2 semaphore(%dma_wait3A_181 : memref<!tpu.dma_semaphore, #tpu.memory_space<semaphore_mem>>) src(%dma_wait3A_192 : memref<3x4x256x256xf32, #tpu.memory_space<hbm>>) dst(%dma_wait3A_187 : memref<3x4x256x256xf32, #tpu.memory_space<vmem>>)
    %dma_start3A_193 = arith.constant 2 : i32
    %dma_start3A_194 = arith.constant 2 : i32
    %dma_start3A_195 = tpu.memref_slice %arg4[%dma_start3A_194] : memref<8x!tpu.dma_semaphore, #tpu.memory_space<semaphore_mem>> -> memref<1x!tpu.dma_semaphore, #tpu.memory_space<semaphore_mem>>
    %dma_start3A_196 = tpu.memref_squeeze %dma_start3A_195 : memref<1x!tpu.dma_semaphore, #tpu.memory_space<semaphore_mem>> -> memref<!tpu.dma_semaphore, #tpu.memory_space<semaphore_mem>>
    %dma_start3A_197 = arith.constant 0 : i32
    %dma_start3A_198 = arith.constant 8 : i32
    %dma_start3A_199 = arith.constant 0 : i32
    %dma_start3A_200 = arith.constant 0 : i32
    %dma_start3A_201 = tpu.memref_slice %arg1[%dma_start3A_197, %dma_start3A_198, %dma_start3A_199, %dma_start3A_200] : memref<3x32x256x256xf32, #tpu.memory_space<hbm>> -> memref<3x4x256x256xf32, #tpu.memory_space<hbm>>
    %dma_start3A_202 = arith.constant 0 : i32
    %dma_start3A_203 = arith.constant 0 : i32
    %dma_start3A_204 = arith.constant 0 : i32
    %dma_start3A_205 = arith.constant 0 : i32
    %dma_start3A_206 = tpu.memref_slice %arg2[%dma_start3A_193, %dma_start3A_202, %dma_start3A_203, %dma_start3A_204, %dma_start3A_205] : memref<8x3x4x256x256xf32, #tpu.memory_space<vmem>> -> memref<1x3x4x256x256xf32, #tpu.memory_space<vmem>>
    %dma_start3A_207 = tpu.memref_squeeze %dma_start3A_206 : memref<1x3x4x256x256xf32, #tpu.memory_space<vmem>> -> memref<3x4x256x256xf32, #tpu.memory_space<vmem>>
    tpu.enqueue_dma source(%dma_start3A_207 : memref<3x4x256x256xf32, #tpu.memory_space<vmem>>) target(%dma_start3A_201 : memref<3x4x256x256xf32, #tpu.memory_space<hbm>>) target_semaphore(%dma_start3A_196 : memref<!tpu.dma_semaphore, #tpu.memory_space<semaphore_mem>>)
    %dma_wait3A_208 = arith.constant 3 : i32
    %dma_wait3A_209 = arith.constant 3 : i32
    %dma_wait3A_210 = tpu.memref_slice %arg3[%dma_wait3A_209] : memref<8x!tpu.dma_semaphore, #tpu.memory_space<semaphore_mem>> -> memref<1x!tpu.dma_semaphore, #tpu.memory_space<semaphore_mem>>
    %dma_wait3A_211 = tpu.memref_squeeze %dma_wait3A_210 : memref<1x!tpu.dma_semaphore, #tpu.memory_space<semaphore_mem>> -> memref<!tpu.dma_semaphore, #tpu.memory_space<semaphore_mem>>
    %dma_wait3A_212 = arith.constant 0 : i32
    %dma_wait3A_213 = arith.constant 0 : i32
    %dma_wait3A_214 = arith.constant 0 : i32
    %dma_wait3A_215 = arith.constant 0 : i32
    %dma_wait3A_216 = tpu.memref_slice %arg2[%dma_wait3A_208, %dma_wait3A_212, %dma_wait3A_213, %dma_wait3A_214, %dma_wait3A_215] : memref<8x3x4x256x256xf32, #tpu.memory_space<vmem>> -> memref<1x3x4x256x256xf32, #tpu.memory_space<vmem>>
    %dma_wait3A_217 = tpu.memref_squeeze %dma_wait3A_216 : memref<1x3x4x256x256xf32, #tpu.memory_space<vmem>> -> memref<3x4x256x256xf32, #tpu.memory_space<vmem>>
    %dma_wait3A_218 = arith.constant 0 : i32
    %dma_wait3A_219 = arith.constant 12 : i32
    %dma_wait3A_220 = arith.constant 0 : i32
    %dma_wait3A_221 = arith.constant 0 : i32
    %dma_wait3A_222 = tpu.memref_slice %arg0[%dma_wait3A_218, %dma_wait3A_219, %dma_wait3A_220, %dma_wait3A_221] : memref<3x32x256x256xf32, #tpu.memory_space<hbm>> -> memref<3x4x256x256xf32, #tpu.memory_space<hbm>>
    tpu.wait_dma2 semaphore(%dma_wait3A_211 : memref<!tpu.dma_semaphore, #tpu.memory_space<semaphore_mem>>) src(%dma_wait3A_222 : memref<3x4x256x256xf32, #tpu.memory_space<hbm>>) dst(%dma_wait3A_217 : memref<3x4x256x256xf32, #tpu.memory_space<vmem>>)
    %dma_start3A_223 = arith.constant 3 : i32
    %dma_start3A_224 = arith.constant 3 : i32
    %dma_start3A_225 = tpu.memref_slice %arg4[%dma_start3A_224] : memref<8x!tpu.dma_semaphore, #tpu.memory_space<semaphore_mem>> -> memref<1x!tpu.dma_semaphore, #tpu.memory_space<semaphore_mem>>
    %dma_start3A_226 = tpu.memref_squeeze %dma_start3A_225 : memref<1x!tpu.dma_semaphore, #tpu.memory_space<semaphore_mem>> -> memref<!tpu.dma_semaphore, #tpu.memory_space<semaphore_mem>>
    %dma_start3A_227 = arith.constant 0 : i32
    %dma_start3A_228 = arith.constant 12 : i32
    %dma_start3A_229 = arith.constant 0 : i32
    %dma_start3A_230 = arith.constant 0 : i32
    %dma_start3A_231 = tpu.memref_slice %arg1[%dma_start3A_227, %dma_start3A_228, %dma_start3A_229, %dma_start3A_230] : memref<3x32x256x256xf32, #tpu.memory_space<hbm>> -> memref<3x4x256x256xf32, #tpu.memory_space<hbm>>
    %dma_start3A_232 = arith.constant 0 : i32
    %dma_start3A_233 = arith.constant 0 : i32
    %dma_start3A_234 = arith.constant 0 : i32
    %dma_start3A_235 = arith.constant 0 : i32
    %dma_start3A_236 = tpu.memref_slice %arg2[%dma_start3A_223, %dma_start3A_232, %dma_start3A_233, %dma_start3A_234, %dma_start3A_235] : memref<8x3x4x256x256xf32, #tpu.memory_space<vmem>> -> memref<1x3x4x256x256xf32, #tpu.memory_space<vmem>>
    %dma_start3A_237 = tpu.memref_squeeze %dma_start3A_236 : memref<1x3x4x256x256xf32, #tpu.memory_space<vmem>> -> memref<3x4x256x256xf32, #tpu.memory_space<vmem>>
    tpu.enqueue_dma source(%dma_start3A_237 : memref<3x4x256x256xf32, #tpu.memory_space<vmem>>) target(%dma_start3A_231 : memref<3x4x256x256xf32, #tpu.memory_space<hbm>>) target_semaphore(%dma_start3A_226 : memref<!tpu.dma_semaphore, #tpu.memory_space<semaphore_mem>>)
    %dma_wait3A_238 = arith.constant 4 : i32
    %dma_wait3A_239 = arith.constant 4 : i32
    %dma_wait3A_240 = tpu.memref_slice %arg3[%dma_wait3A_239] : memref<8x!tpu.dma_semaphore, #tpu.memory_space<semaphore_mem>> -> memref<1x!tpu.dma_semaphore, #tpu.memory_space<semaphore_mem>>
    %dma_wait3A_241 = tpu.memref_squeeze %dma_wait3A_240 : memref<1x!tpu.dma_semaphore, #tpu.memory_space<semaphore_mem>> -> memref<!tpu.dma_semaphore, #tpu.memory_space<semaphore_mem>>
    %dma_wait3A_242 = arith.constant 0 : i32
    %dma_wait3A_243 = arith.constant 0 : i32
    %dma_wait3A_244 = arith.constant 0 : i32
    %dma_wait3A_245 = arith.constant 0 : i32
    %dma_wait3A_246 = tpu.memref_slice %arg2[%dma_wait3A_238, %dma_wait3A_242, %dma_wait3A_243, %dma_wait3A_244, %dma_wait3A_245] : memref<8x3x4x256x256xf32, #tpu.memory_space<vmem>> -> memref<1x3x4x256x256xf32, #tpu.memory_space<vmem>>
    %dma_wait3A_247 = tpu.memref_squeeze %dma_wait3A_246 : memref<1x3x4x256x256xf32, #tpu.memory_space<vmem>> -> memref<3x4x256x256xf32, #tpu.memory_space<vmem>>
    %dma_wait3A_248 = arith.constant 0 : i32
    %dma_wait3A_249 = arith.constant 16 : i32
    %dma_wait3A_250 = arith.constant 0 : i32
    %dma_wait3A_251 = arith.constant 0 : i32
    %dma_wait3A_252 = tpu.memref_slice %arg0[%dma_wait3A_248, %dma_wait3A_249, %dma_wait3A_250, %dma_wait3A_251] : memref<3x32x256x256xf32, #tpu.memory_space<hbm>> -> memref<3x4x256x256xf32, #tpu.memory_space<hbm>>
    tpu.wait_dma2 semaphore(%dma_wait3A_241 : memref<!tpu.dma_semaphore, #tpu.memory_space<semaphore_mem>>) src(%dma_wait3A_252 : memref<3x4x256x256xf32, #tpu.memory_space<hbm>>) dst(%dma_wait3A_247 : memref<3x4x256x256xf32, #tpu.memory_space<vmem>>)
    %dma_start3A_253 = arith.constant 4 : i32
    %dma_start3A_254 = arith.constant 4 : i32
    %dma_start3A_255 = tpu.memref_slice %arg4[%dma_start3A_254] : memref<8x!tpu.dma_semaphore, #tpu.memory_space<semaphore_mem>> -> memref<1x!tpu.dma_semaphore, #tpu.memory_space<semaphore_mem>>
    %dma_start3A_256 = tpu.memref_squeeze %dma_start3A_255 : memref<1x!tpu.dma_semaphore, #tpu.memory_space<semaphore_mem>> -> memref<!tpu.dma_semaphore, #tpu.memory_space<semaphore_mem>>
    %dma_start3A_257 = arith.constant 0 : i32
    %dma_start3A_258 = arith.constant 16 : i32
    %dma_start3A_259 = arith.constant 0 : i32
    %dma_start3A_260 = arith.constant 0 : i32
    %dma_start3A_261 = tpu.memref_slice %arg1[%dma_start3A_257, %dma_start3A_258, %dma_start3A_259, %dma_start3A_260] : memref<3x32x256x256xf32, #tpu.memory_space<hbm>> -> memref<3x4x256x256xf32, #tpu.memory_space<hbm>>
    %dma_start3A_262 = arith.constant 0 : i32
    %dma_start3A_263 = arith.constant 0 : i32
    %dma_start3A_264 = arith.constant 0 : i32
    %dma_start3A_265 = arith.constant 0 : i32
    %dma_start3A_266 = tpu.memref_slice %arg2[%dma_start3A_253, %dma_start3A_262, %dma_start3A_263, %dma_start3A_264, %dma_start3A_265] : memref<8x3x4x256x256xf32, #tpu.memory_space<vmem>> -> memref<1x3x4x256x256xf32, #tpu.memory_space<vmem>>
    %dma_start3A_267 = tpu.memref_squeeze %dma_start3A_266 : memref<1x3x4x256x256xf32, #tpu.memory_space<vmem>> -> memref<3x4x256x256xf32, #tpu.memory_space<vmem>>
    tpu.enqueue_dma source(%dma_start3A_267 : memref<3x4x256x256xf32, #tpu.memory_space<vmem>>) target(%dma_start3A_261 : memref<3x4x256x256xf32, #tpu.memory_space<hbm>>) target_semaphore(%dma_start3A_256 : memref<!tpu.dma_semaphore, #tpu.memory_space<semaphore_mem>>)
    %dma_wait3A_268 = arith.constant 5 : i32
    %dma_wait3A_269 = arith.constant 5 : i32
    %dma_wait3A_270 = tpu.memref_slice %arg3[%dma_wait3A_269] : memref<8x!tpu.dma_semaphore, #tpu.memory_space<semaphore_mem>> -> memref<1x!tpu.dma_semaphore, #tpu.memory_space<semaphore_mem>>
    %dma_wait3A_271 = tpu.memref_squeeze %dma_wait3A_270 : memref<1x!tpu.dma_semaphore, #tpu.memory_space<semaphore_mem>> -> memref<!tpu.dma_semaphore, #tpu.memory_space<semaphore_mem>>
    %dma_wait3A_272 = arith.constant 0 : i32
    %dma_wait3A_273 = arith.constant 0 : i32
    %dma_wait3A_274 = arith.constant 0 : i32
    %dma_wait3A_275 = arith.constant 0 : i32
    %dma_wait3A_276 = tpu.memref_slice %arg2[%dma_wait3A_268, %dma_wait3A_272, %dma_wait3A_273, %dma_wait3A_274, %dma_wait3A_275] : memref<8x3x4x256x256xf32, #tpu.memory_space<vmem>> -> memref<1x3x4x256x256xf32, #tpu.memory_space<vmem>>
    %dma_wait3A_277 = tpu.memref_squeeze %dma_wait3A_276 : memref<1x3x4x256x256xf32, #tpu.memory_space<vmem>> -> memref<3x4x256x256xf32, #tpu.memory_space<vmem>>
    %dma_wait3A_278 = arith.constant 0 : i32
    %dma_wait3A_279 = arith.constant 20 : i32
    %dma_wait3A_280 = arith.constant 0 : i32
    %dma_wait3A_281 = arith.constant 0 : i32
    %dma_wait3A_282 = tpu.memref_slice %arg0[%dma_wait3A_278, %dma_wait3A_279, %dma_wait3A_280, %dma_wait3A_281] : memref<3x32x256x256xf32, #tpu.memory_space<hbm>> -> memref<3x4x256x256xf32, #tpu.memory_space<hbm>>
    tpu.wait_dma2 semaphore(%dma_wait3A_271 : memref<!tpu.dma_semaphore, #tpu.memory_space<semaphore_mem>>) src(%dma_wait3A_282 : memref<3x4x256x256xf32, #tpu.memory_space<hbm>>) dst(%dma_wait3A_277 : memref<3x4x256x256xf32, #tpu.memory_space<vmem>>)
    %dma_start3A_283 = arith.constant 5 : i32
    %dma_start3A_284 = arith.constant 5 : i32
    %dma_start3A_285 = tpu.memref_slice %arg4[%dma_start3A_284] : memref<8x!tpu.dma_semaphore, #tpu.memory_space<semaphore_mem>> -> memref<1x!tpu.dma_semaphore, #tpu.memory_space<semaphore_mem>>
    %dma_start3A_286 = tpu.memref_squeeze %dma_start3A_285 : memref<1x!tpu.dma_semaphore, #tpu.memory_space<semaphore_mem>> -> memref<!tpu.dma_semaphore, #tpu.memory_space<semaphore_mem>>
    %dma_start3A_287 = arith.constant 0 : i32
    %dma_start3A_288 = arith.constant 20 : i32
    %dma_start3A_289 = arith.constant 0 : i32
    %dma_start3A_290 = arith.constant 0 : i32
    %dma_start3A_291 = tpu.memref_slice %arg1[%dma_start3A_287, %dma_start3A_288, %dma_start3A_289, %dma_start3A_290] : memref<3x32x256x256xf32, #tpu.memory_space<hbm>> -> memref<3x4x256x256xf32, #tpu.memory_space<hbm>>
    %dma_start3A_292 = arith.constant 0 : i32
    %dma_start3A_293 = arith.constant 0 : i32
    %dma_start3A_294 = arith.constant 0 : i32
    %dma_start3A_295 = arith.constant 0 : i32
    %dma_start3A_296 = tpu.memref_slice %arg2[%dma_start3A_283, %dma_start3A_292, %dma_start3A_293, %dma_start3A_294, %dma_start3A_295] : memref<8x3x4x256x256xf32, #tpu.memory_space<vmem>> -> memref<1x3x4x256x256xf32, #tpu.memory_space<vmem>>
    %dma_start3A_297 = tpu.memref_squeeze %dma_start3A_296 : memref<1x3x4x256x256xf32, #tpu.memory_space<vmem>> -> memref<3x4x256x256xf32, #tpu.memory_space<vmem>>
    tpu.enqueue_dma source(%dma_start3A_297 : memref<3x4x256x256xf32, #tpu.memory_space<vmem>>) target(%dma_start3A_291 : memref<3x4x256x256xf32, #tpu.memory_space<hbm>>) target_semaphore(%dma_start3A_286 : memref<!tpu.dma_semaphore, #tpu.memory_space<semaphore_mem>>)
    %dma_wait3A_298 = arith.constant 6 : i32
    %dma_wait3A_299 = arith.constant 6 : i32
    %dma_wait3A_300 = tpu.memref_slice %arg3[%dma_wait3A_299] : memref<8x!tpu.dma_semaphore, #tpu.memory_space<semaphore_mem>> -> memref<1x!tpu.dma_semaphore, #tpu.memory_space<semaphore_mem>>
    %dma_wait3A_301 = tpu.memref_squeeze %dma_wait3A_300 : memref<1x!tpu.dma_semaphore, #tpu.memory_space<semaphore_mem>> -> memref<!tpu.dma_semaphore, #tpu.memory_space<semaphore_mem>>
    %dma_wait3A_302 = arith.constant 0 : i32
    %dma_wait3A_303 = arith.constant 0 : i32
    %dma_wait3A_304 = arith.constant 0 : i32
    %dma_wait3A_305 = arith.constant 0 : i32
    %dma_wait3A_306 = tpu.memref_slice %arg2[%dma_wait3A_298, %dma_wait3A_302, %dma_wait3A_303, %dma_wait3A_304, %dma_wait3A_305] : memref<8x3x4x256x256xf32, #tpu.memory_space<vmem>> -> memref<1x3x4x256x256xf32, #tpu.memory_space<vmem>>
    %dma_wait3A_307 = tpu.memref_squeeze %dma_wait3A_306 : memref<1x3x4x256x256xf32, #tpu.memory_space<vmem>> -> memref<3x4x256x256xf32, #tpu.memory_space<vmem>>
    %dma_wait3A_308 = arith.constant 0 : i32
    %dma_wait3A_309 = arith.constant 24 : i32
    %dma_wait3A_310 = arith.constant 0 : i32
    %dma_wait3A_311 = arith.constant 0 : i32
    %dma_wait3A_312 = tpu.memref_slice %arg0[%dma_wait3A_308, %dma_wait3A_309, %dma_wait3A_310, %dma_wait3A_311] : memref<3x32x256x256xf32, #tpu.memory_space<hbm>> -> memref<3x4x256x256xf32, #tpu.memory_space<hbm>>
    tpu.wait_dma2 semaphore(%dma_wait3A_301 : memref<!tpu.dma_semaphore, #tpu.memory_space<semaphore_mem>>) src(%dma_wait3A_312 : memref<3x4x256x256xf32, #tpu.memory_space<hbm>>) dst(%dma_wait3A_307 : memref<3x4x256x256xf32, #tpu.memory_space<vmem>>)
    %dma_start3A_313 = arith.constant 6 : i32
    %dma_start3A_314 = arith.constant 6 : i32
    %dma_start3A_315 = tpu.memref_slice %arg4[%dma_start3A_314] : memref<8x!tpu.dma_semaphore, #tpu.memory_space<semaphore_mem>> -> memref<1x!tpu.dma_semaphore, #tpu.memory_space<semaphore_mem>>
    %dma_start3A_316 = tpu.memref_squeeze %dma_start3A_315 : memref<1x!tpu.dma_semaphore, #tpu.memory_space<semaphore_mem>> -> memref<!tpu.dma_semaphore, #tpu.memory_space<semaphore_mem>>
    %dma_start3A_317 = arith.constant 0 : i32
    %dma_start3A_318 = arith.constant 24 : i32
    %dma_start3A_319 = arith.constant 0 : i32
    %dma_start3A_320 = arith.constant 0 : i32
    %dma_start3A_321 = tpu.memref_slice %arg1[%dma_start3A_317, %dma_start3A_318, %dma_start3A_319, %dma_start3A_320] : memref<3x32x256x256xf32, #tpu.memory_space<hbm>> -> memref<3x4x256x256xf32, #tpu.memory_space<hbm>>
    %dma_start3A_322 = arith.constant 0 : i32
    %dma_start3A_323 = arith.constant 0 : i32
    %dma_start3A_324 = arith.constant 0 : i32
    %dma_start3A_325 = arith.constant 0 : i32
    %dma_start3A_326 = tpu.memref_slice %arg2[%dma_start3A_313, %dma_start3A_322, %dma_start3A_323, %dma_start3A_324, %dma_start3A_325] : memref<8x3x4x256x256xf32, #tpu.memory_space<vmem>> -> memref<1x3x4x256x256xf32, #tpu.memory_space<vmem>>
    %dma_start3A_327 = tpu.memref_squeeze %dma_start3A_326 : memref<1x3x4x256x256xf32, #tpu.memory_space<vmem>> -> memref<3x4x256x256xf32, #tpu.memory_space<vmem>>
    tpu.enqueue_dma source(%dma_start3A_327 : memref<3x4x256x256xf32, #tpu.memory_space<vmem>>) target(%dma_start3A_321 : memref<3x4x256x256xf32, #tpu.memory_space<hbm>>) target_semaphore(%dma_start3A_316 : memref<!tpu.dma_semaphore, #tpu.memory_space<semaphore_mem>>)
    %dma_wait3A_328 = arith.constant 7 : i32
    %dma_wait3A_329 = arith.constant 7 : i32
    %dma_wait3A_330 = tpu.memref_slice %arg3[%dma_wait3A_329] : memref<8x!tpu.dma_semaphore, #tpu.memory_space<semaphore_mem>> -> memref<1x!tpu.dma_semaphore, #tpu.memory_space<semaphore_mem>>
    %dma_wait3A_331 = tpu.memref_squeeze %dma_wait3A_330 : memref<1x!tpu.dma_semaphore, #tpu.memory_space<semaphore_mem>> -> memref<!tpu.dma_semaphore, #tpu.memory_space<semaphore_mem>>
    %dma_wait3A_332 = arith.constant 0 : i32
    %dma_wait3A_333 = arith.constant 0 : i32
    %dma_wait3A_334 = arith.constant 0 : i32
    %dma_wait3A_335 = arith.constant 0 : i32
    %dma_wait3A_336 = tpu.memref_slice %arg2[%dma_wait3A_328, %dma_wait3A_332, %dma_wait3A_333, %dma_wait3A_334, %dma_wait3A_335] : memref<8x3x4x256x256xf32, #tpu.memory_space<vmem>> -> memref<1x3x4x256x256xf32, #tpu.memory_space<vmem>>
    %dma_wait3A_337 = tpu.memref_squeeze %dma_wait3A_336 : memref<1x3x4x256x256xf32, #tpu.memory_space<vmem>> -> memref<3x4x256x256xf32, #tpu.memory_space<vmem>>
    %dma_wait3A_338 = arith.constant 0 : i32
    %dma_wait3A_339 = arith.constant 28 : i32
    %dma_wait3A_340 = arith.constant 0 : i32
    %dma_wait3A_341 = arith.constant 0 : i32
    %dma_wait3A_342 = tpu.memref_slice %arg0[%dma_wait3A_338, %dma_wait3A_339, %dma_wait3A_340, %dma_wait3A_341] : memref<3x32x256x256xf32, #tpu.memory_space<hbm>> -> memref<3x4x256x256xf32, #tpu.memory_space<hbm>>
    tpu.wait_dma2 semaphore(%dma_wait3A_331 : memref<!tpu.dma_semaphore, #tpu.memory_space<semaphore_mem>>) src(%dma_wait3A_342 : memref<3x4x256x256xf32, #tpu.memory_space<hbm>>) dst(%dma_wait3A_337 : memref<3x4x256x256xf32, #tpu.memory_space<vmem>>)
    %dma_start3A_343 = arith.constant 7 : i32
    %dma_start3A_344 = arith.constant 7 : i32
    %dma_start3A_345 = tpu.memref_slice %arg4[%dma_start3A_344] : memref<8x!tpu.dma_semaphore, #tpu.memory_space<semaphore_mem>> -> memref<1x!tpu.dma_semaphore, #tpu.memory_space<semaphore_mem>>
    %dma_start3A_346 = tpu.memref_squeeze %dma_start3A_345 : memref<1x!tpu.dma_semaphore, #tpu.memory_space<semaphore_mem>> -> memref<!tpu.dma_semaphore, #tpu.memory_space<semaphore_mem>>
    %dma_start3A_347 = arith.constant 0 : i32
    %dma_start3A_348 = arith.constant 28 : i32
    %dma_start3A_349 = arith.constant 0 : i32
    %dma_start3A_350 = arith.constant 0 : i32
    %dma_start3A_351 = tpu.memref_slice %arg1[%dma_start3A_347, %dma_start3A_348, %dma_start3A_349, %dma_start3A_350] : memref<3x32x256x256xf32, #tpu.memory_space<hbm>> -> memref<3x4x256x256xf32, #tpu.memory_space<hbm>>
    %dma_start3A_352 = arith.constant 0 : i32
    %dma_start3A_353 = arith.constant 0 : i32
    %dma_start3A_354 = arith.constant 0 : i32
    %dma_start3A_355 = arith.constant 0 : i32
    %dma_start3A_356 = tpu.memref_slice %arg2[%dma_start3A_343, %dma_start3A_352, %dma_start3A_353, %dma_start3A_354, %dma_start3A_355] : memref<8x3x4x256x256xf32, #tpu.memory_space<vmem>> -> memref<1x3x4x256x256xf32, #tpu.memory_space<vmem>>
    %dma_start3A_357 = tpu.memref_squeeze %dma_start3A_356 : memref<1x3x4x256x256xf32, #tpu.memory_space<vmem>> -> memref<3x4x256x256xf32, #tpu.memory_space<vmem>>
    tpu.enqueue_dma source(%dma_start3A_357 : memref<3x4x256x256xf32, #tpu.memory_space<vmem>>) target(%dma_start3A_351 : memref<3x4x256x256xf32, #tpu.memory_space<hbm>>) target_semaphore(%dma_start3A_346 : memref<!tpu.dma_semaphore, #tpu.memory_space<semaphore_mem>>)
    %dma_wait3A_358 = arith.constant 0 : i32
    %dma_wait3A_359 = arith.constant 0 : i32
    %dma_wait3A_360 = tpu.memref_slice %arg4[%dma_wait3A_359] : memref<8x!tpu.dma_semaphore, #tpu.memory_space<semaphore_mem>> -> memref<1x!tpu.dma_semaphore, #tpu.memory_space<semaphore_mem>>
    %dma_wait3A_361 = tpu.memref_squeeze %dma_wait3A_360 : memref<1x!tpu.dma_semaphore, #tpu.memory_space<semaphore_mem>> -> memref<!tpu.dma_semaphore, #tpu.memory_space<semaphore_mem>>
    %dma_wait3A_362 = arith.constant 0 : i32
    %dma_wait3A_363 = arith.constant 0 : i32
    %dma_wait3A_364 = arith.constant 0 : i32
    %dma_wait3A_365 = arith.constant 0 : i32
    %dma_wait3A_366 = tpu.memref_slice %arg1[%dma_wait3A_362, %dma_wait3A_363, %dma_wait3A_364, %dma_wait3A_365] : memref<3x32x256x256xf32, #tpu.memory_space<hbm>> -> memref<3x4x256x256xf32, #tpu.memory_space<hbm>>
    %dma_wait3A_367 = arith.constant 0 : i32
    %dma_wait3A_368 = arith.constant 0 : i32
    %dma_wait3A_369 = arith.constant 0 : i32
    %dma_wait3A_370 = arith.constant 0 : i32
    %dma_wait3A_371 = tpu.memref_slice %arg2[%dma_wait3A_358, %dma_wait3A_367, %dma_wait3A_368, %dma_wait3A_369, %dma_wait3A_370] : memref<8x3x4x256x256xf32, #tpu.memory_space<vmem>> -> memref<1x3x4x256x256xf32, #tpu.memory_space<vmem>>
    %dma_wait3A_372 = tpu.memref_squeeze %dma_wait3A_371 : memref<1x3x4x256x256xf32, #tpu.memory_space<vmem>> -> memref<3x4x256x256xf32, #tpu.memory_space<vmem>>
    tpu.wait_dma2 semaphore(%dma_wait3A_361 : memref<!tpu.dma_semaphore, #tpu.memory_space<semaphore_mem>>) src(%dma_wait3A_372 : memref<3x4x256x256xf32, #tpu.memory_space<vmem>>) dst(%dma_wait3A_366 : memref<3x4x256x256xf32, #tpu.memory_space<hbm>>)
    %dma_wait3A_373 = arith.constant 1 : i32
    %dma_wait3A_374 = arith.constant 1 : i32
    %dma_wait3A_375 = tpu.memref_slice %arg4[%dma_wait3A_374] : memref<8x!tpu.dma_semaphore, #tpu.memory_space<semaphore_mem>> -> memref<1x!tpu.dma_semaphore, #tpu.memory_space<semaphore_mem>>
    %dma_wait3A_376 = tpu.memref_squeeze %dma_wait3A_375 : memref<1x!tpu.dma_semaphore, #tpu.memory_space<semaphore_mem>> -> memref<!tpu.dma_semaphore, #tpu.memory_space<semaphore_mem>>
    %dma_wait3A_377 = arith.constant 0 : i32
    %dma_wait3A_378 = arith.constant 4 : i32
    %dma_wait3A_379 = arith.constant 0 : i32
    %dma_wait3A_380 = arith.constant 0 : i32
    %dma_wait3A_381 = tpu.memref_slice %arg1[%dma_wait3A_377, %dma_wait3A_378, %dma_wait3A_379, %dma_wait3A_380] : memref<3x32x256x256xf32, #tpu.memory_space<hbm>> -> memref<3x4x256x256xf32, #tpu.memory_space<hbm>>
    %dma_wait3A_382 = arith.constant 0 : i32
    %dma_wait3A_383 = arith.constant 0 : i32
    %dma_wait3A_384 = arith.constant 0 : i32
    %dma_wait3A_385 = arith.constant 0 : i32
    %dma_wait3A_386 = tpu.memref_slice %arg2[%dma_wait3A_373, %dma_wait3A_382, %dma_wait3A_383, %dma_wait3A_384, %dma_wait3A_385] : memref<8x3x4x256x256xf32, #tpu.memory_space<vmem>> -> memref<1x3x4x256x256xf32, #tpu.memory_space<vmem>>
    %dma_wait3A_387 = tpu.memref_squeeze %dma_wait3A_386 : memref<1x3x4x256x256xf32, #tpu.memory_space<vmem>> -> memref<3x4x256x256xf32, #tpu.memory_space<vmem>>
    tpu.wait_dma2 semaphore(%dma_wait3A_376 : memref<!tpu.dma_semaphore, #tpu.memory_space<semaphore_mem>>) src(%dma_wait3A_387 : memref<3x4x256x256xf32, #tpu.memory_space<vmem>>) dst(%dma_wait3A_381 : memref<3x4x256x256xf32, #tpu.memory_space<hbm>>)
    %dma_wait3A_388 = arith.constant 2 : i32
    %dma_wait3A_389 = arith.constant 2 : i32
    %dma_wait3A_390 = tpu.memref_slice %arg4[%dma_wait3A_389] : memref<8x!tpu.dma_semaphore, #tpu.memory_space<semaphore_mem>> -> memref<1x!tpu.dma_semaphore, #tpu.memory_space<semaphore_mem>>
    %dma_wait3A_391 = tpu.memref_squeeze %dma_wait3A_390 : memref<1x!tpu.dma_semaphore, #tpu.memory_space<semaphore_mem>> -> memref<!tpu.dma_semaphore, #tpu.memory_space<semaphore_mem>>
    %dma_wait3A_392 = arith.constant 0 : i32
    %dma_wait3A_393 = arith.constant 8 : i32
    %dma_wait3A_394 = arith.constant 0 : i32
    %dma_wait3A_395 = arith.constant 0 : i32
    %dma_wait3A_396 = tpu.memref_slice %arg1[%dma_wait3A_392, %dma_wait3A_393, %dma_wait3A_394, %dma_wait3A_395] : memref<3x32x256x256xf32, #tpu.memory_space<hbm>> -> memref<3x4x256x256xf32, #tpu.memory_space<hbm>>
    %dma_wait3A_397 = arith.constant 0 : i32
    %dma_wait3A_398 = arith.constant 0 : i32
    %dma_wait3A_399 = arith.constant 0 : i32
    %dma_wait3A_400 = arith.constant 0 : i32
    %dma_wait3A_401 = tpu.memref_slice %arg2[%dma_wait3A_388, %dma_wait3A_397, %dma_wait3A_398, %dma_wait3A_399, %dma_wait3A_400] : memref<8x3x4x256x256xf32, #tpu.memory_space<vmem>> -> memref<1x3x4x256x256xf32, #tpu.memory_space<vmem>>
    %dma_wait3A_402 = tpu.memref_squeeze %dma_wait3A_401 : memref<1x3x4x256x256xf32, #tpu.memory_space<vmem>> -> memref<3x4x256x256xf32, #tpu.memory_space<vmem>>
    tpu.wait_dma2 semaphore(%dma_wait3A_391 : memref<!tpu.dma_semaphore, #tpu.memory_space<semaphore_mem>>) src(%dma_wait3A_402 : memref<3x4x256x256xf32, #tpu.memory_space<vmem>>) dst(%dma_wait3A_396 : memref<3x4x256x256xf32, #tpu.memory_space<hbm>>)
    %dma_wait3A_403 = arith.constant 3 : i32
    %dma_wait3A_404 = arith.constant 3 : i32
    %dma_wait3A_405 = tpu.memref_slice %arg4[%dma_wait3A_404] : memref<8x!tpu.dma_semaphore, #tpu.memory_space<semaphore_mem>> -> memref<1x!tpu.dma_semaphore, #tpu.memory_space<semaphore_mem>>
    %dma_wait3A_406 = tpu.memref_squeeze %dma_wait3A_405 : memref<1x!tpu.dma_semaphore, #tpu.memory_space<semaphore_mem>> -> memref<!tpu.dma_semaphore, #tpu.memory_space<semaphore_mem>>
    %dma_wait3A_407 = arith.constant 0 : i32
    %dma_wait3A_408 = arith.constant 12 : i32
    %dma_wait3A_409 = arith.constant 0 : i32
    %dma_wait3A_410 = arith.constant 0 : i32
    %dma_wait3A_411 = tpu.memref_slice %arg1[%dma_wait3A_407, %dma_wait3A_408, %dma_wait3A_409, %dma_wait3A_410] : memref<3x32x256x256xf32, #tpu.memory_space<hbm>> -> memref<3x4x256x256xf32, #tpu.memory_space<hbm>>
    %dma_wait3A_412 = arith.constant 0 : i32
    %dma_wait3A_413 = arith.constant 0 : i32
    %dma_wait3A_414 = arith.constant 0 : i32
    %dma_wait3A_415 = arith.constant 0 : i32
    %dma_wait3A_416 = tpu.memref_slice %arg2[%dma_wait3A_403, %dma_wait3A_412, %dma_wait3A_413, %dma_wait3A_414, %dma_wait3A_415] : memref<8x3x4x256x256xf32, #tpu.memory_space<vmem>> -> memref<1x3x4x256x256xf32, #tpu.memory_space<vmem>>
    %dma_wait3A_417 = tpu.memref_squeeze %dma_wait3A_416 : memref<1x3x4x256x256xf32, #tpu.memory_space<vmem>> -> memref<3x4x256x256xf32, #tpu.memory_space<vmem>>
    tpu.wait_dma2 semaphore(%dma_wait3A_406 : memref<!tpu.dma_semaphore, #tpu.memory_space<semaphore_mem>>) src(%dma_wait3A_417 : memref<3x4x256x256xf32, #tpu.memory_space<vmem>>) dst(%dma_wait3A_411 : memref<3x4x256x256xf32, #tpu.memory_space<hbm>>)
    %dma_wait3A_418 = arith.constant 4 : i32
    %dma_wait3A_419 = arith.constant 4 : i32
    %dma_wait3A_420 = tpu.memref_slice %arg4[%dma_wait3A_419] : memref<8x!tpu.dma_semaphore, #tpu.memory_space<semaphore_mem>> -> memref<1x!tpu.dma_semaphore, #tpu.memory_space<semaphore_mem>>
    %dma_wait3A_421 = tpu.memref_squeeze %dma_wait3A_420 : memref<1x!tpu.dma_semaphore, #tpu.memory_space<semaphore_mem>> -> memref<!tpu.dma_semaphore, #tpu.memory_space<semaphore_mem>>
    %dma_wait3A_422 = arith.constant 0 : i32
    %dma_wait3A_423 = arith.constant 16 : i32
    %dma_wait3A_424 = arith.constant 0 : i32
    %dma_wait3A_425 = arith.constant 0 : i32
    %dma_wait3A_426 = tpu.memref_slice %arg1[%dma_wait3A_422, %dma_wait3A_423, %dma_wait3A_424, %dma_wait3A_425] : memref<3x32x256x256xf32, #tpu.memory_space<hbm>> -> memref<3x4x256x256xf32, #tpu.memory_space<hbm>>
    %dma_wait3A_427 = arith.constant 0 : i32
    %dma_wait3A_428 = arith.constant 0 : i32
    %dma_wait3A_429 = arith.constant 0 : i32
    %dma_wait3A_430 = arith.constant 0 : i32
    %dma_wait3A_431 = tpu.memref_slice %arg2[%dma_wait3A_418, %dma_wait3A_427, %dma_wait3A_428, %dma_wait3A_429, %dma_wait3A_430] : memref<8x3x4x256x256xf32, #tpu.memory_space<vmem>> -> memref<1x3x4x256x256xf32, #tpu.memory_space<vmem>>
    %dma_wait3A_432 = tpu.memref_squeeze %dma_wait3A_431 : memref<1x3x4x256x256xf32, #tpu.memory_space<vmem>> -> memref<3x4x256x256xf32, #tpu.memory_space<vmem>>
    tpu.wait_dma2 semaphore(%dma_wait3A_421 : memref<!tpu.dma_semaphore, #tpu.memory_space<semaphore_mem>>) src(%dma_wait3A_432 : memref<3x4x256x256xf32, #tpu.memory_space<vmem>>) dst(%dma_wait3A_426 : memref<3x4x256x256xf32, #tpu.memory_space<hbm>>)
    %dma_wait3A_433 = arith.constant 5 : i32
    %dma_wait3A_434 = arith.constant 5 : i32
    %dma_wait3A_435 = tpu.memref_slice %arg4[%dma_wait3A_434] : memref<8x!tpu.dma_semaphore, #tpu.memory_space<semaphore_mem>> -> memref<1x!tpu.dma_semaphore, #tpu.memory_space<semaphore_mem>>
    %dma_wait3A_436 = tpu.memref_squeeze %dma_wait3A_435 : memref<1x!tpu.dma_semaphore, #tpu.memory_space<semaphore_mem>> -> memref<!tpu.dma_semaphore, #tpu.memory_space<semaphore_mem>>
    %dma_wait3A_437 = arith.constant 0 : i32
    %dma_wait3A_438 = arith.constant 20 : i32
    %dma_wait3A_439 = arith.constant 0 : i32
    %dma_wait3A_440 = arith.constant 0 : i32
    %dma_wait3A_441 = tpu.memref_slice %arg1[%dma_wait3A_437, %dma_wait3A_438, %dma_wait3A_439, %dma_wait3A_440] : memref<3x32x256x256xf32, #tpu.memory_space<hbm>> -> memref<3x4x256x256xf32, #tpu.memory_space<hbm>>
    %dma_wait3A_442 = arith.constant 0 : i32
    %dma_wait3A_443 = arith.constant 0 : i32
    %dma_wait3A_444 = arith.constant 0 : i32
    %dma_wait3A_445 = arith.constant 0 : i32
    %dma_wait3A_446 = tpu.memref_slice %arg2[%dma_wait3A_433, %dma_wait3A_442, %dma_wait3A_443, %dma_wait3A_444, %dma_wait3A_445] : memref<8x3x4x256x256xf32, #tpu.memory_space<vmem>> -> memref<1x3x4x256x256xf32, #tpu.memory_space<vmem>>
    %dma_wait3A_447 = tpu.memref_squeeze %dma_wait3A_446 : memref<1x3x4x256x256xf32, #tpu.memory_space<vmem>> -> memref<3x4x256x256xf32, #tpu.memory_space<vmem>>
    tpu.wait_dma2 semaphore(%dma_wait3A_436 : memref<!tpu.dma_semaphore, #tpu.memory_space<semaphore_mem>>) src(%dma_wait3A_447 : memref<3x4x256x256xf32, #tpu.memory_space<vmem>>) dst(%dma_wait3A_441 : memref<3x4x256x256xf32, #tpu.memory_space<hbm>>)
    %dma_wait3A_448 = arith.constant 6 : i32
    %dma_wait3A_449 = arith.constant 6 : i32
    %dma_wait3A_450 = tpu.memref_slice %arg4[%dma_wait3A_449] : memref<8x!tpu.dma_semaphore, #tpu.memory_space<semaphore_mem>> -> memref<1x!tpu.dma_semaphore, #tpu.memory_space<semaphore_mem>>
    %dma_wait3A_451 = tpu.memref_squeeze %dma_wait3A_450 : memref<1x!tpu.dma_semaphore, #tpu.memory_space<semaphore_mem>> -> memref<!tpu.dma_semaphore, #tpu.memory_space<semaphore_mem>>
    %dma_wait3A_452 = arith.constant 0 : i32
    %dma_wait3A_453 = arith.constant 24 : i32
    %dma_wait3A_454 = arith.constant 0 : i32
    %dma_wait3A_455 = arith.constant 0 : i32
    %dma_wait3A_456 = tpu.memref_slice %arg1[%dma_wait3A_452, %dma_wait3A_453, %dma_wait3A_454, %dma_wait3A_455] : memref<3x32x256x256xf32, #tpu.memory_space<hbm>> -> memref<3x4x256x256xf32, #tpu.memory_space<hbm>>
    %dma_wait3A_457 = arith.constant 0 : i32
    %dma_wait3A_458 = arith.constant 0 : i32
    %dma_wait3A_459 = arith.constant 0 : i32
    %dma_wait3A_460 = arith.constant 0 : i32
    %dma_wait3A_461 = tpu.memref_slice %arg2[%dma_wait3A_448, %dma_wait3A_457, %dma_wait3A_458, %dma_wait3A_459, %dma_wait3A_460] : memref<8x3x4x256x256xf32, #tpu.memory_space<vmem>> -> memref<1x3x4x256x256xf32, #tpu.memory_space<vmem>>
    %dma_wait3A_462 = tpu.memref_squeeze %dma_wait3A_461 : memref<1x3x4x256x256xf32, #tpu.memory_space<vmem>> -> memref<3x4x256x256xf32, #tpu.memory_space<vmem>>
    tpu.wait_dma2 semaphore(%dma_wait3A_451 : memref<!tpu.dma_semaphore, #tpu.memory_space<semaphore_mem>>) src(%dma_wait3A_462 : memref<3x4x256x256xf32, #tpu.memory_space<vmem>>) dst(%dma_wait3A_456 : memref<3x4x256x256xf32, #tpu.memory_space<hbm>>)
    %dma_wait3A_463 = arith.constant 7 : i32
    %dma_wait3A_464 = arith.constant 7 : i32
    %dma_wait3A_465 = tpu.memref_slice %arg4[%dma_wait3A_464] : memref<8x!tpu.dma_semaphore, #tpu.memory_space<semaphore_mem>> -> memref<1x!tpu.dma_semaphore, #tpu.memory_space<semaphore_mem>>
    %dma_wait3A_466 = tpu.memref_squeeze %dma_wait3A_465 : memref<1x!tpu.dma_semaphore, #tpu.memory_space<semaphore_mem>> -> memref<!tpu.dma_semaphore, #tpu.memory_space<semaphore_mem>>
    %dma_wait3A_467 = arith.constant 0 : i32
    %dma_wait3A_468 = arith.constant 28 : i32
    %dma_wait3A_469 = arith.constant 0 : i32
    %dma_wait3A_470 = arith.constant 0 : i32
    %dma_wait3A_471 = tpu.memref_slice %arg1[%dma_wait3A_467, %dma_wait3A_468, %dma_wait3A_469, %dma_wait3A_470] : memref<3x32x256x256xf32, #tpu.memory_space<hbm>> -> memref<3x4x256x256xf32, #tpu.memory_space<hbm>>
    %dma_wait3A_472 = arith.constant 0 : i32
    %dma_wait3A_473 = arith.constant 0 : i32
    %dma_wait3A_474 = arith.constant 0 : i32
    %dma_wait3A_475 = arith.constant 0 : i32
    %dma_wait3A_476 = tpu.memref_slice %arg2[%dma_wait3A_463, %dma_wait3A_472, %dma_wait3A_473, %dma_wait3A_474, %dma_wait3A_475] : memref<8x3x4x256x256xf32, #tpu.memory_space<vmem>> -> memref<1x3x4x256x256xf32, #tpu.memory_space<vmem>>
    %dma_wait3A_477 = tpu.memref_squeeze %dma_wait3A_476 : memref<1x3x4x256x256xf32, #tpu.memory_space<vmem>> -> memref<3x4x256x256xf32, #tpu.memory_space<vmem>>
    tpu.wait_dma2 semaphore(%dma_wait3A_466 : memref<!tpu.dma_semaphore, #tpu.memory_space<semaphore_mem>>) src(%dma_wait3A_477 : memref<3x4x256x256xf32, #tpu.memory_space<vmem>>) dst(%dma_wait3A_471 : memref<3x4x256x256xf32, #tpu.memory_space<hbm>>)
    return
  }
}

</mosaic_0001>

<sc_bundles>
// kernel: kernel.4.cloned.1.call-start
scs
__scs_entry_jumppad:
0x0: {  	(pc) =	sbr.rel $0x88, $3  }
0x1: {  	(tag) =	ssettag $0x0;
	lr =	simm.s32 $0x1  }
0x2: {  	[smem:$0x3FA0] =	sst lr;
	_ =	strace $0xD0000000  }
0x3: {  	_ = 	snop  }
0x4: {  	_ = 	snop  }
0x5: {  	_ = 	snop  }
0x6: {  	_ = 	snop  }
0x7: {  	_ = 	snop  }
__scs_overlays_trampoline_lowered:
0x8: {  	[smem:$0x3FAF] =	sst s0  }
0x9: {  	[smem:$0x3FB0] =	sst s1  }
0xa: {  	[smem:$0x3FB1] =	sst s2  }
0xb: {  	[smem:$0x3FB2] =	sst s3  }
0xc: {  	[smem:$0x3FB3] =	sst s4  }
0xd: {  	[smem:$0x3FB4] =	sst s5  }
0xe: {  	[smem:$0x3FB5] =	sst s6  }
0xf: {  	[smem:$0x3FB6] =	sst s7  }
0x10: {  	[smem:$0x3FB7] =	sst s8  }
0x11: {  	[smem:$0x3FB8] =	sst s9;
	s0 =	simm.s32 @!p0 $0x0  }
0x12: {  	s1 =	sld [smem:$0x3F9E];
	s0 =	simm.s32 @p0 $0x1  }
0x13: {  	[smem:$0x3FB9] =	sst s0;
	s0 =	simm.s32 @!p1 $0x0  }
0x14: {  	s2 =	sld [smem:$0x3F9D];
	s0 =	simm.s32 @p1 $0x1  }
0x15: {  	[smem:$0x3FBA] =	sst s0;
	s0 =	simm.s32 @!p2 $0x0  }
0x16: {  	s3 =	sld [smem:$0x3FDB];
	s0 =	simm.s32 @p2 $0x1  }
0x17: {  	s4 =	simm.s32 $0x1BF5;
	[smem:$0x3FBC] =	sst s0  }
0x18: {  	s0 =	sld [smem:$0x3F9F];
	_ =	swait.ge [sflag:s4], $0x0  }
0x19: {  	s7 =	sld [smem:$0x3FA0]  }
0x1a: {  	s8 =	sadd.s32 $0xFFFFE003, lr  }
0x1b: {  	s9 =	sadd.s32 $0xFFFFFEF7, lr;
	s5 =	simm.s32 $0xFFFFFFFF;
	p2 =	slt.u32 s8, $0xFFFFF086  }
0x1c: {  	p1 =	slt.u32 s9, $0xF7A;
	s5 =	simm.s32 @!p2 $0x0  }
0x1d: {  	s5 =	simm.s32 @p1 $0x1;
	p0 =	seq.s32 s7, s2  }
0x1e: {  	s7 =	smul.u32 @!p0 $0xF7A, s2;
	p2 =	seq.s32 @!p0 s5, $0x0  }
0x1f: {  	s9 =	smul.u32 $0xF7A, s1;
	s8 =	simm.s32 @!p0 $0x1BF5;
	p2 =	por !p2, p0  }
0x20: {  	[sflag:s8] =	ssyncset.s32 @!p0 $0xFFFFF086;
	s6 =	sadd.s32 @!p0 s3, s7;
	s7 =	simm.s32 @!p0 $0x108  }
0x21: {  	s3 =	sadd.s32 s3, s9;
	s6 =	sadd.s32 @!p0 $0x88, s6;
	s7 =	simm.s32 @p2 $0x1082  }
0x22: {  	[simem:s7], [sflag:s8] =	dma.local @!p0 [hbm:s6], $0xF7A  }
0x23: {  	s9 =	sor.u32 $0xD0000000, s2;
	s6 =	simm.s32 $0x108;
	_ =	swait.ge @!p0 [sflag:s8], $0x0  }
0x24: {  	s3 =	sadd.s32 $0x88, s3;
	s6 =	simm.s32 @!p1 $0x1082;
	[sflag:s4] =	ssyncset.s32 $0xFFFFF086  }
0x25: {  	[simem:s6], [sflag:s4] =	dma.local [hbm:s3], $0xF7A  }
0x26: {  	[smem:$0x3FA0] =	sst s1;
	(tag) =	ssettag s2;
	_ =	strace s9  }
0x27: {  	s1 =	sld [smem:$0x3FB0]  }
0x28: {  	s2 =	sld [smem:$0x3FB1]  }
0x29: {  	s4 =	sld [smem:$0x3FB3]  }
0x2a: {  	p0 =	seq.s32 s5, $0x0;
	s5 =	sld [smem:$0x3FB4]  }
0x2b: {  	s6 =	sld [smem:$0x3FB5]  }
0x2c: {  	s7 =	sld [smem:$0x3FB6]  }
0x2d: {  	s3 =	simm.s32 $0x108;
	s8 =	sld [smem:$0x3FB7]  }
0x2e: {  	s3 =	simm.s32 @!p0 $0x1082;
	s9 =	sld [smem:$0x3FB8]  }
0x2f: {  	lr =	sadd.s32 s0, s3;
	s0 =	sld [smem:$0x3FAF]  }
0x30: {  	s3 =	sld [smem:$0x3FB2]  }
0x31: {  	[smem:$0x3FBB] =	sst s10  }
0x32: {  	s10 =	sld [smem:$0x3FB9];
	_ =	sdelay $0x3  }
0x33: {  	p0 =	seq.s32 s10, $0x1;
	s10 =	sld [smem:$0x3FBB];
	_ =	sdelay $0x3  }
0x34: {  	[smem:$0x3FBB] =	sst s10  }
0x35: {  	s10 =	sld [smem:$0x3FBA];
	_ =	sdelay $0x3  }
0x36: {  	p1 =	seq.s32 s10, $0x1;
	s10 =	sld [smem:$0x3FBB];
	_ =	sdelay $0x3  }
0x37: {  	[smem:$0x3FBB] =	sst s10  }
0x38: {  	s10 =	sld [smem:$0x3FBC]  }
0x39: {  	_ = 	snop;
	(pc) =	sbr.ind lr, $3  }
0x3a: {  	_ = 	snop  }
0x3b: {  	_ = 	snop  }
0x3c: {  	p2 =	seq.s32 s10, $0x1;
	s10 =	sld [smem:$0x3FBB]  }
0x3d: {  	_ =	shalt  }
0x3e: {  	_ =	shalt  }
0x3f: {  	_ =	shalt  }
0x40: {  	_ =	shalt  }
0x41: {  	_ =	shalt  }
0x42: {  	_ =	shalt  }
0x43: {  	_ =	shalt  }
0x44: {  	_ =	shalt  }
0x45: {  	_ =	shalt  }
0x46: {  	_ =	shalt  }
0x47: {  	_ =	shalt  }
0x48: {  	_ =	shalt  }
0x49: {  	_ =	shalt  }
0x4a: {  	_ =	shalt  }
0x4b: {  	_ =	shalt  }
0x4c: {  	_ =	shalt  }
0x4d: {  	_ =	shalt  }
0x4e: {  	_ =	shalt  }
0x4f: {  	_ =	shalt  }
0x50: {  	_ =	shalt  }
0x51: {  	_ =	shalt  }
0x52: {  	_ =	shalt  }
0x53: {  	_ =	shalt  }
0x54: {  	_ =	shalt  }
0x55: {  	_ =	shalt  }
0x56: {  	_ =	shalt  }
0x57: {  	_ =	shalt  }
0x58: {  	_ =	shalt  }
0x59: {  	_ =	shalt  }
0x5a: {  	_ =	shalt  }
0x5b: {  	_ =	shalt  }
0x5c: {  	_ =	shalt  }
0x5d: {  	_ =	shalt  }
0x5e: {  	_ =	shalt  }
0x5f: {  	_ =	shalt  }
0x60: {  	_ =	shalt  }
0x61: {  	_ =	shalt  }
0x62: {  	_ =	shalt  }
0x63: {  	_ =	shalt  }
0x64: {  	_ =	shalt  }
0x65: {  	_ =	shalt  }
0x66: {  	_ =	shalt  }
0x67: {  	_ =	shalt  }
0x68: {  	_ =	shalt  }
0x69: {  	_ =	shalt  }
0x6a: {  	_ =	shalt  }
0x6b: {  	_ =	shalt  }
0x6c: {  	_ =	shalt  }
0x6d: {  	_ =	shalt  }
0x6e: {  	_ =	shalt  }
0x6f: {  	_ =	shalt  }
0x70: {  	_ =	shalt  }
0x71: {  	_ =	shalt  }
0x72: {  	_ =	shalt  }
0x73: {  	_ =	shalt  }
0x74: {  	_ =	shalt  }
0x75: {  	_ =	shalt  }
0x76: {  	_ =	shalt  }
0x77: {  	_ =	shalt  }
0x78: {  	_ =	shalt  }
0x79: {  	_ =	shalt  }
0x7a: {  	_ =	shalt  }
0x7b: {  	_ =	shalt  }
0x7c: {  	_ =	shalt  }
0x7d: {  	_ =	shalt  }
0x7e: {  	_ =	shalt  }
0x7f: {  	_ =	shalt  }
0x80: {  	_ =	shalt  }
0x81: {  	_ =	shalt  }
0x82: {  	_ =	shalt  }
0x83: {  	_ =	shalt  }
0x84: {  	_ =	shalt  }
0x85: {  	_ =	shalt  }
0x86: {  	_ =	shalt  }
0x87: {  	_ =	shalt  }
.Lfunc_end0:
.L_simem_size_0:
called_computation_lowered:
.L_overlay_start_0:
0x88: {  	s2 =	sld [smem:$0x3FD9]  }
0x89: {  	s3 =	sld [smem:$0x3FFE];
	_ =	sdelay $0x1  }
0x8a: {  	s1 =	srdreg.scid  }
0x8b: {  	s0 =	sand.u32 $0x1, s1  }
0x8c: {  	s15 =	sshll.u32 s0, $0xA;
	s2 =	sadd.s32 s3, s2  }
0x8d: {  	s2 =	sadd.s32 s2, s15  }
0x8e: {  	[smem:$0x3FC7] =	sst s2  }
0x8f: {  	_ = 	snop  }
0x90: {  	s2 =	sld [smem:$0x3FD0];
	_ =	sdelay $0x2  }
0x91: {  	s4 =	simm.s32 $0xA;
	s5 =	simm.s32 $0x10;
	s16 =	sld [smem:$0x3FC9]  }
0x92: {  	[smem:s5], [sflag:s4] =	dma.local [hbm:s2], $0x1  }
0x93: {  	_ =	swait.eq [sflag:s4], $0x1  }
0x94: {  	[sflag:s4] =	ssyncset.done $0x0  }
0x95: {  	[sflag:s4] =	ssyncadd.s32 $0xFFFFFFFF  }
0x96: {  	s17 =	sld [smem:$0x10];
	(tm) =	ssettm $0x1  }
0x97: {  	s18 =	sld [smem:$0x3FFB];
	_ =	sdelay $0x3  }
0x98: {  	_ =	strace s18  }
0x99: {  	s4 =	sld [smem:$0x3FFC];
	_ =	sdelay $0x3  }
0x9a: {  	_ =	strace s4  }
0x9b: {  	s4 =	sld [smem:$0x3FFD];
	_ =	sdelay $0x3  }
0x9c: {  	_ =	strace s4  }
0x9d: {  	_ =	strace $0x8FFFFFFF  }
0x9e: {  	s19 =	sld [smem:$0x3FDB];
	_ =	sdelay $0x1  }
0x9f: {  	s20 =	simm.s32 $_scs_section_size  }
0xa0: {  	s6 =	simm.s32 $_size__tile_overlayer_lowered;
	s7 =	simm.s32 $_tile_overlayer_lowered  }
0xa1: {  	s23 =	simm.s32 $0x1BFF;
	s22 =	sshll.u32 s7, $0x1;
	s4 =	sadd.s32 s20, s19  }
0xa2: {  	s8 =	simm.s32 $0x0;
	s21 =	sshll.u32 s6, $0x1;
	s6 =	sadd.s32 s22, s4  }
0xa3: {  	[timem:s8], [sflag:s23] =	dma.local [hbm:s6], s21  }
0xa4: {  	_ =	swait.ge [sflag:s23], s21  }
0xa5: {  	s5 =	ssub.s32 $0x0, s21;
	[sflag:s23] =	ssyncset.done $0x0  }
0xa6: {  	[sflag:s23] =	ssyncadd.s32 s5;
	_ =	sdelay $0x1  }
0xa7: {  	s24 =	simm.s32 $0x1B8B  }
0xa8: {  	_ =	swait.ge [sflag:s24], $0x1  }
0xa9: {  	[sflag:s24] =	ssyncset.done $0x0  }
0xaa: {  	s25 =	simm.s32 $0x1B8E;
	[sflag:s24] =	ssyncadd.s32 $0xFFFFFFFF  }
0xab: {  	s26 =	simm.s32 $execute0_lowered;
	[smem:$0x3FD2] =	sst s25  }
0xac: {  	s5 =	sshll.u32 s26, $0x1;
	_ =	strace $0x80000046;
	[dreg:$0x1] =	wrdreg $0xFFFFFFFF  }
0xad: {  	s28 =	simm.s32 $_size_execute0_lowered;
	s4 =	sadd.s32 s4, s5;
	[dreg:$0x0] =	wrdreg $0x0  }
0xae: {  	s5 =	sshll.u32 s28, $0x1;
	[dreg:$0x2] =	wrdreg s4  }
0xaf: {  	[dreg:$0x3] =	wrdreg s5  }
0xb0: {  	[dreg:$0x4] =	wrdreg $0xC0  }
0xb1: {  	_ =	task [dreg:s8], $0x5FFFF  }
0xb2: {  	[dreg:$0x1] =	wrdreg $0xFFFFFFFF  }
0xb3: {  	[dreg:$0x0] =	wrdreg $0x60  }
0xb4: {  	[dreg:$0x2] =	wrdreg s16  }
0xb5: {  	[dreg:$0x3] =	wrdreg s17  }
0xb6: {  	[dreg:$0x4] =	wrdreg $0x0  }
0xb7: {  	[dreg:$0x5] =	wrdreg $0x9  }
0xb8: {  	_ =	task.clear_ibuf [dreg:s8], $0x6FFFF;
	_ =	strace $0x90000046  }
0xb9: {  	s29 =	simm.s32 $0x9;
	_ =	strace $0x80000048  }
0xba: {  	_ =	swait.ge [sflag:s29], $0x1  }
0xbb: {  	[sflag:s29] =	ssyncadd.s32 $0xFFFFFFFF  }
0xbc: {  	_ =	strace $0x90000048  }
0xbd: {  	_ =	sfence  }
0xbe: {  	s30 =	sld [smem:$0x0];
	_ =	sdelay $0x2  }
0xbf: {  	s31 =	sshll.u32 s1, $0xD;
	s1 =	sshrl.u32 s1, $0x2  }
0xc0: {  	s3 =	sand.u32 $0x4000, s31;
	s1 =	sadd.s32 s1, s30  }
0xc1: {  	s0 =	sor.u32 s3, s0;
	s1 =	sshll.u32 s1, $0x11  }
0xc2: {  	s0 =	sor.u32 s1, s0  }
0xc3: {  	s0 =	sadd.s32 $0x8F2B, s0  }
0xc4: {  	[sflag:s0] =	ssyncadd.remote.s32 $0x1  }
0xc5: {  	_ =	sfence.sel $0xFFFF  }
0xc6: {  	[dreg:$0x0] =	wrdreg $0xFFFFFFFF;
	(pc) =	sbr.abs _section_cstart, $3  }
0xc7: {  	[dreg:$0x1] =	wrdreg $0xFFFFFFFF  }
0xc8: {  	_ =	task.clear_ibuf [dreg:s8], $0x2FFFF;
	_ =	strace $0x9FFFFFFF  }
0xc9: {  	(tm) =	ssettm $0x7FFFFFFF  }
tec
execute0_lowered:
.L_overlay_start_1:
0x0: {  	(tag) =	ssettag $0x1  }
0x1: {  	s1 =	srdreg.scid  }
0x2: {  	s0 =	stileid.u32;
	s6 =	rddreg [dreg:$0x0]  }
0x3: {  	s7 =	rddreg [dreg:$0x1];
	s2 =	sand.u32 $0x1, s1;
	s15 =	sshll.u32 s0, $0x1  }
0x4: {  	s5 =	rddreg [dreg:$0x2];
	s3 =	sor.u32 s2, s15  }
0x5: {  	s8 =	simm.s32 $0x0;
	s1 =	rddreg [dreg:$0x3];
	s4 =	smul.u32 $0x3, s3  }
0x6: {  	p0 =	por $0x0, $0x0;
	[smem:$0x7FF] =	sst s8;
	s12 =	smul.u32 $0x30000, s0  }
0x7: {  	_ =	strace $0x80000047;
	s2 =	ssub.s32 $0x2, s2;
	s16 =	sshrl.u32 s4, $0x2  }
0x8: {  	s19 =	smul.u32 $0xC000, s3;
	s22 =	sadd.s32 $0x1, s4;
	s9 =	sand.u32 $0x7, s16  }
0x9: {  	s18 =	sshrl.u32 s2, $0x1;
	s14 =	sshrl.u32 s22, $0x2;
	s10 =	smul.u32 $0x47B, s9  }
0xa: {  	s12 =	sshrl.u32 s12, $0x2;
	s17 =	smul.u32 $0x1F, s9;
	s14 =	sand.u32 $0x7, s14  }
0xb: {  	s8 =	ssub.s32 s2, s18;
	s18 =	sadd.s32 s12, s5;
	s15 =	smul.u32 $0x1F, s14  }
0xc: {  	s9 =	sshll.u32 s9, $0x10;
	s16 =	smul.u32 $0x47B, s14;
	s14 =	sshll.u32 s14, $0x10  }
0xd: {  	s11 =	sshrl.u32 s10, $0x8;
	s10 =	sand.u32 $0xC000, s19;
	s19 =	sshrl.u32 s22, $0x5  }
0xe: {  	s13 =	ssub.s32 s17, s11;
	s26 =	sshrl.u32 s16, $0x8;
	s30 =	sshll.u32 s19, $0x15  }
0xf: {  	s19 =	sshll.u32 s19, $0x13;
	s20 =	sand.u32 $0xFE, s13;
	s13 =	sshrl.u32 s4, $0x5  }
0x10: {  	s4 =	sadd.s32 $0x2, s4;
	s15 =	ssub.s32 s15, s26;
	s3 =	sshrl.u32 s20, $0x1  }
0x11: {  	s23 =	sshll.u32 s13, $0x15;
	s24 =	sshrl.u32 s4, $0x2;
	s15 =	sand.u32 $0xFE, s15  }
0x12: {  	s31 =	sshrl.u32 s4, $0x5;
	s4 =	sshll.u32 s4, $0xE;
	s13 =	sshll.u32 s13, $0x13  }
0x13: {  	s21 =	sadd.s32 s11, s3;
	s17 =	sand.u32 $0x7, s24;
	s11 =	sshll.u32 s22, $0xE  }
0x14: {  	s15 =	sshrl.u32 s15, $0x1;
	s20 =	sshll.u32 s31, $0x15;
	s22 =	sand.u32 $0xC000, s4  }
0x15: {  	s24 =	sadd.s32 $0x8000, s18;
	s9 =	sor.u32 s13, s9;
	s25 =	smul.u32 $0x47B, s17  }
0x16: {  	s2 =	sshll.u32 s21, $0xE;
	s28 =	smul.u32 $0x1F, s17;
	s11 =	sand.u32 $0xC000, s11  }
0x17: {  	s12 =	sadd.s32 s26, s15;
	s15 =	sshll.u32 s31, $0x13;
	s17 =	sshll.u32 s17, $0x10  }
0x18: {  	s9 =	sor.u32 s10, s9;
	s31 =	smax.u32 s8, $0x1;
	s8 =	simm.s32 $0x6  }
0x19: {  	s2 =	sand.u32 $0x3F0000, s2;
	s12 =	sshll.u32 s12, $0xE;
	s26 =	sor.u32 s15, s17  }
0x1a: {  	s9 =	sshrl.u32 s9, $0x3;
	s17 =	simm.s32 $0x1;
	s15 =	simm.s32 $0x3  }
0x1b: {  	p1 =	sne.s32 s31, $0x1;
	s2 =	sadd.s32 s23, s2;
	s5 =	sshrl.u32 s25, $0x8  }
0x1c: {  	s12 =	sand.u32 $0x3F0000, s12;
	s23 =	sadd.s32 $0x4000, s18;
	s25 =	sor.u32 s19, s14  }
0x1d: {  	s14 =	sadd.s32 s7, s9;
	s9 =	simm.s32 $0x5;
	s18 =	sshrl.u32 s18, $0x3  }
0x1e: {  	s2 =	sor.u32 s10, s2;
	s16 =	ssub.s32 s28, s5;
	s12 =	sadd.s32 s30, s12  }
0x1f: {  	s28 =	sor.u32 s11, s25;
	s13 =	sshrl.u32 s23, $0x3;
	s2 =	sshrl.u32 s2, $0x3  }
0x20: {  	s16 =	sand.u32 $0xFE, s16;
	s12 =	sor.u32 s11, s12;
	s10 =	sshrl.u32 s28, $0x3  }
0x21: {  	s3 =	sadd.s32 s6, s2;
	s2 =	sshll.u32 s0, $0x6;
	s29 =	sshrl.u32 s16, $0x1  }
0x22: {  	s12 =	sshrl.u32 s12, $0x3;
	s11 =	sadd.s32 s7, s10;
	s5 =	sadd.s32 s5, s29  }
0x23: {  	s10 =	sshrl.u32 s24, $0x3;
	s16 =	simm.s32 $0x2;
	s5 =	sshll.u32 s5, $0xE  }
.Ltmp0:
0x24: {  	s24 =	sadd.s32 $0xFFFFFFFF, s31;
	s5 =	sand.u32 $0x3F0000, s5;
	(pc) =	sbr.rel @!p1 .LBB2_3-.Ltmp0, $4  }
0x25: {  	s4 =	sor.u32 $0x1C01, s2;
	s29 =	sor.u32 s22, s26;
	s5 =	sadd.s32 s20, s5  }
0x26: {  	s19 =	sor.u32 $0x1C03, s2;
	s30 =	sshrl.u32 s29, $0x3;
	s5 =	sor.u32 s22, s5  }
0x27: {  	s7 =	sadd.s32 s7, s30;
	s20 =	sor.u32 $0x1C02, s2;
	s21 =	sshrl.u32 s5, $0x3  }
0x28: {  	s5 =	sadd.s32 s6, s12;
	s12 =	simm.s32 $0x4;
	s6 =	sadd.s32 s6, s21  }
0x29: {  	[spmem:s18], [sflag:s4] =	dma.local [hbm:s3], $0x800  }
0x2a: {  	[spmem:s13], [sflag:s20] =	dma.local [hbm:s5], $0x800  }
0x2b: {  	[spmem:s10], [sflag:s19] =	dma.local [hbm:s6], $0x800  }
0x2c: {  	_ =	swait.ge [sflag:s17], $0x800  }
0x2d: {  	[sflag:s17] =	ssyncset.done $0x0  }
0x2e: {  	s21 =	sor.u32 $0x1C04, s2;
	[sflag:s17] =	ssyncadd.s32 $0xFFFFF800  }
0x2f: {  	[hbm:s14], [sflag:s21] =	dma.local [spmem:s18], $0x800  }
0x30: {  	_ =	swait.ge [sflag:s16], $0x800  }
0x31: {  	[sflag:s16] =	ssyncset.done $0x0  }
0x32: {  	s22 =	sor.u32 $0x1C05, s2;
	[sflag:s16] =	ssyncadd.s32 $0xFFFFF800  }
0x33: {  	[hbm:s11], [sflag:s22] =	dma.local [spmem:s13], $0x800  }
0x34: {  	_ =	swait.ge [sflag:s15], $0x800  }
0x35: {  	[sflag:s15] =	ssyncset.done $0x0  }
0x36: {  	s23 =	sor.u32 $0x1C06, s2;
	[sflag:s15] =	ssyncadd.s32 $0xFFFFF800  }
0x37: {  	[hbm:s7], [sflag:s23] =	dma.local [spmem:s10], $0x800  }
0x38: {  	_ =	swait.ge [sflag:s12], $0x800  }
0x39: {  	[sflag:s12] =	ssyncset.done $0x0  }
0x3a: {  	p1 =	sne.s32 s24, $0x1;
	[sflag:s12] =	ssyncadd.s32 $0xFFFFF800  }
.Ltmp1:
0x3b: {  	_ =	swait.ge [sflag:s9], $0x800;
	(pc) =	sbr.rel @!p1 .LBB2_3-.Ltmp1, $4  }
0x3c: {  	[sflag:s9] =	ssyncset.done $0x0  }
0x3d: {  	[sflag:s9] =	ssyncadd.s32 $0xFFFFF800  }
0x3e: {  	_ =	swait.ge [sflag:s8], $0x800  }
0x3f: {  	s24 =	sadd.s32 $0xFFFFFFFF, s24;
	p0 =	por $0x1, $0x1;
	[sflag:s8] =	ssyncset.done $0x0  }
.LBB2_2:
0x40: {  	[sflag:s8] =	ssyncadd.s32 $0xFFFFF800  }
0x41: {  	[spmem:s18], [sflag:s4] =	dma.local [hbm:s3], $0x800  }
0x42: {  	[spmem:s13], [sflag:s20] =	dma.local [hbm:s5], $0x800  }
0x43: {  	[spmem:s10], [sflag:s19] =	dma.local [hbm:s6], $0x800  }
0x44: {  	p1 =	sne.s32 s24, $0x1;
	s24 =	sadd.s32 $0xFFFFFFFF, s24;
	_ =	swait.ge [sflag:s17], $0x800  }
0x45: {  	[sflag:s17] =	ssyncset.done $0x0  }
0x46: {  	[sflag:s17] =	ssyncadd.s32 $0xFFFFF800  }
0x47: {  	[hbm:s14], [sflag:s21] =	dma.local [spmem:s18], $0x800  }
0x48: {  	_ =	swait.ge [sflag:s16], $0x800  }
0x49: {  	[sflag:s16] =	ssyncset.done $0x0  }
0x4a: {  	[sflag:s16] =	ssyncadd.s32 $0xFFFFF800  }
0x4b: {  	[hbm:s11], [sflag:s22] =	dma.local [spmem:s13], $0x800  }
0x4c: {  	_ =	swait.ge [sflag:s15], $0x800  }
0x4d: {  	[sflag:s15] =	ssyncset.done $0x0  }
0x4e: {  	[sflag:s15] =	ssyncadd.s32 $0xFFFFF800  }
0x4f: {  	[hbm:s7], [sflag:s23] =	dma.local [spmem:s10], $0x800  }
0x50: {  	_ =	swait.ge [sflag:s12], $0x800  }
0x51: {  	[sflag:s12] =	ssyncset.done $0x0  }
0x52: {  	[sflag:s12] =	ssyncadd.s32 $0xFFFFF800  }
.Ltmp2:
0x53: {  	_ =	swait.ge [sflag:s9], $0x800;
	(pc) =	sbr.rel @p1 .LBB2_2-.Ltmp2, $4  }
0x54: {  	[sflag:s9] =	ssyncset.done $0x0  }
0x55: {  	[sflag:s9] =	ssyncadd.s32 $0xFFFFF800  }
0x56: {  	_ =	swait.ge [sflag:s8], $0x800  }
0x57: {  	[sflag:s8] =	ssyncset.done $0x0  }
.LBB2_3:
0x58: {  	[sflag:s8] =	ssyncadd.s32 @p0 $0xFFFFF800  }
0x59: {  	[spmem:s18], [sflag:s4] =	dma.local [hbm:s3], $0x800  }
0x5a: {  	[spmem:s13], [sflag:s20] =	dma.local [hbm:s5], $0x800  }
0x5b: {  	[spmem:s10], [sflag:s19] =	dma.local [hbm:s6], $0x800  }
0x5c: {  	_ =	swait.ge [sflag:s17], $0x800  }
0x5d: {  	[sflag:s17] =	ssyncset.done $0x0  }
0x5e: {  	s29 =	sor.u32 $0x1C04, s2;
	[sflag:s17] =	ssyncadd.s32 $0xFFFFF800  }
0x5f: {  	[hbm:s14], [sflag:s29] =	dma.local [spmem:s18], $0x800  }
0x60: {  	_ =	swait.ge [sflag:s16], $0x800  }
0x61: {  	[sflag:s16] =	ssyncset.done $0x0  }
0x62: {  	s30 =	sor.u32 $0x1C05, s2;
	[sflag:s16] =	ssyncadd.s32 $0xFFFFF800  }
0x63: {  	[hbm:s11], [sflag:s30] =	dma.local [spmem:s13], $0x800  }
0x64: {  	_ =	swait.ge [sflag:s15], $0x800  }
0x65: {  	[sflag:s15] =	ssyncset.done $0x0  }
0x66: {  	s31 =	sor.u32 $0x1C06, s2;
	[sflag:s15] =	ssyncadd.s32 $0xFFFFF800  }
0x67: {  	[hbm:s7], [sflag:s31] =	dma.local [spmem:s10], $0x800  }
0x68: {  	_ =	swait.ge [sflag:s12], $0x800  }
0x69: {  	[sflag:s12] =	ssyncset.done $0x0  }
0x6a: {  	[sflag:s12] =	ssyncadd.s32 $0xFFFFF800  }
0x6b: {  	_ =	swait.ge [sflag:s9], $0x800  }
0x6c: {  	[sflag:s9] =	ssyncset.done $0x0  }
0x6d: {  	[sflag:s9] =	ssyncadd.s32 $0xFFFFF800  }
0x6e: {  	_ =	swait.ge [sflag:s8], $0x800  }
0x6f: {  	[sflag:s8] =	ssyncset.done $0x0  }
0x70: {  	[sflag:s8] =	ssyncadd.s32 $0xFFFFF800  }
0x71: {  	_ =	sfence.sel $0x180000  }
0x72: {  	[bflag:$0x0] =	sbarrier.arrive $0xFFFF  }
0x73: {  	p0 =	sne.s32 s0, $0x0;
	_ =	strace $0x90000047  }
0x74: {  	s0 =	sadd.s32 @!p0 $0x100000, s1;
	[bflag:$0x2] =	sbarrier.arrive $0xFFFF  }
0x75: {  	[sflag:s0] =	ssyncadd.tile.s32 @!p0 $0x1;
	_ =	shalt  }
.Lfunc_end2:
_tile_overlayer_lowered:
.L_overlay_start_2:
0x76: {  	(tag) =	ssettag $0x2  }
0x77: {  	s0 =	rddreg [dreg:$0x0];
	s2 =	stileid.u32  }
0x78: {  	s1 =	rddreg [dreg:$0x1];
	p0 =	sne.s32 s2, $0x0  }
0x79: {  	s3 =	rddreg [dreg:$0x2];
	[bflag:$0x3] =	sbarrier.arrive $0xFFFF;
	s2 =	simm.s32 @!p0 $0x1C07  }
0x7a: {  	[timem:s3], [sflag:s2] =	dma.local @!p0 [hbm:s0], s1  }
0x7b: {  	s0 =	simm.s32 @!p0 $0x7  }
0x7c: {  	_ =	swait.ge @!p0 [sflag:s0], s1  }
0x7d: {  	s1 =	ssub.s32 @!p0 $0x0, s1;
	[sflag:s0] =	ssyncset.done @!p0 $0x0  }
0x7e: {  	[sflag:s0] =	ssyncadd.s32 @!p0 s1  }
0x7f: {  	[bflag:$0x3] =	sbarrier.arrive $0xFFFF  }
0x80: {  	_ =	shalt  }

</sc_bundles>
